<compile_context>
chip_gen: v7x
topology: tpu7x:2x2x1
jax: 0.10.2.dev20260603
libtpu: 0.0.44.dev20260713+nightly
codegen_flags: <defaults>
</compile_context>

<pallas_src>
import functools

import jax
import jax.numpy as jnp
import numpy as np
from jax import lax
from jax.experimental import pallas as pl
from jax.experimental.pallas import tpu as pltpu
from jax.experimental.pallas import tpu_sc as plsc

T = 64
RCHUNK = 128


def _route_body(x_ref, wg_ref, pos_ref, bexp_ref, vcnt_ref, lb_ref):
    N = x_ref.shape[0]
    E = wg_ref.shape[1]

    logits = jax.lax.dot_general(
        x_ref[...], wg_ref[...], (((1,), (0,)), ((), ())),
        preferred_element_type=jnp.float32)
    m = jnp.max(logits, axis=1, keepdims=True)
    iota_ne = jax.lax.broadcasted_iota(jnp.int32, (N, E), 1)
    eidx = jnp.min(jnp.where(logits == m, iota_ne, E), axis=1)
    onehot = (iota_ne == eidx[:, None]).astype(jnp.float32)

    counts = jnp.sum(onehot, axis=0)
    frac = counts * (1.0 / N)
    lb_ref[...] = jnp.broadcast_to(E * jnp.sum(frac * frac) * 0.1, (1, 1))

    iota_r = jax.lax.broadcasted_iota(jnp.int32, (RCHUNK, RCHUNK), 0)
    iota_c = jax.lax.broadcasted_iota(jnp.int32, (RCHUNK, RCHUNK), 1)
    lt = (iota_c < iota_r).astype(jnp.bfloat16)
    oh_b = onehot.astype(jnp.bfloat16)
    base = jnp.zeros((1, E), jnp.float32)
    rank_rows = []
    for c in range(N // RCHUNK):
        oc = oh_b[c * RCHUNK:(c + 1) * RCHUNK]
        local = jax.lax.dot_general(
            lt, oc, (((1,), (0,)), ((), ())),
            preferred_element_type=jnp.float32)
        rank_rows.append(local + base)
        base = base + jnp.sum(oc.astype(jnp.float32), axis=0, keepdims=True)
    rank_all = jnp.concatenate(rank_rows, axis=0)
    rank = jnp.sum(rank_all * onehot, axis=1)

    nblk = jnp.floor((counts + (T - 1)) * (1.0 / T))
    iota_ee_r = jax.lax.broadcasted_iota(jnp.int32, (E, E), 0)
    iota_ee_c = jax.lax.broadcasted_iota(jnp.int32, (E, E), 1)
    ltE = (iota_ee_c < iota_ee_r).astype(jnp.float32)
    bstart = jnp.sum(ltE * nblk[None, :], axis=1)
    pad_off = bstart * float(T)

    pos = jnp.sum(onehot * pad_off[None, :], axis=1) + rank
    pos_ref[...] = pos.astype(jnp.int32)

    NBP = bexp_ref.shape[0]
    iota_be_b = jax.lax.broadcasted_iota(
        jnp.int32, (NBP, E), 0).astype(jnp.float32)
    iota_be_e = jax.lax.broadcasted_iota(
        jnp.int32, (NBP, E), 1).astype(jnp.float32)
    inside = ((iota_be_b >= bstart[None, :])
              & (iota_be_b < (bstart + nblk)[None, :])).astype(jnp.float32)
    bexp_ref[...] = jnp.sum(inside * iota_be_e, axis=1).astype(jnp.int32)
    cnt_blk = jnp.clip(
        counts[None, :] - (iota_be_b - bstart[None, :]) * float(T),
        0.0, float(T))
    vcnt_ref[...] = jnp.sum(inside * cnt_blk, axis=1).astype(jnp.int32)


def _route(xf, Wg, nbp):
    N, D = xf.shape
    E = Wg.shape[1]
    return pl.pallas_call(
        _route_body,
        in_specs=[
            pl.BlockSpec((N, D), lambda: (0, 0)),
            pl.BlockSpec((D, E), lambda: (0, 0)),
        ],
        out_specs=[
            pl.BlockSpec((N,), lambda: (0,)),
            pl.BlockSpec((nbp,), lambda: (0,)),
            pl.BlockSpec((nbp,), lambda: (0,)),
            pl.BlockSpec((1, 1), lambda: (0, 0)),
        ],
        out_shape=[
            jax.ShapeDtypeStruct((N,), jnp.int32),
            jax.ShapeDtypeStruct((nbp,), jnp.int32),
            jax.ShapeDtypeStruct((nbp,), jnp.int32),
            jax.ShapeDtypeStruct((1, 1), jnp.float32),
        ],
    )(xf, Wg)


def _fused_body(bexp_ref, vcnt_ref, xpad_ref, wdw_ref, bdw_ref,
                wup_ref, bup_ref, outpad_ref):
    b = pl.program_id(0)

    e = bexp_ref[b]
    w = wdw_ref[e].astype(jnp.bfloat16)
    het = jax.lax.dot_general(
        w, xpad_ref[...].astype(jnp.bfloat16), (((1,), (1,)), ((), ())),
        preferred_element_type=jnp.float32)
    het = het + bdw_ref[e]
    actt = 0.5 * het * (1.0 + jnp.tanh(
        np.sqrt(2.0 / np.pi) * (het + 0.044715 * het * het * het)))
    act = jnp.transpose(actt)
    outpad_ref[...] = jax.lax.dot_general(
        act, wup_ref[...], (((1,), (1,)), ((), ())),
        preferred_element_type=jnp.float32) + bup_ref[...][None, :]


def _fused(xpad, Wdw, bdw3, Wup, bup, bexp, vcnt, nb):
    NPAD, D = xpad.shape
    E, DOWN, _ = Wdw.shape
    return pl.pallas_call(
        _fused_body,
        grid_spec=pltpu.PrefetchScalarGridSpec(
            num_scalar_prefetch=2,
            grid=(nb,),
            in_specs=[
                pl.BlockSpec((T, D), lambda b, be, vc: (b, 0)),
                pl.BlockSpec((E, DOWN, D), lambda b, be, vc: (0, 0, 0)),
                pl.BlockSpec((E, DOWN, 1), lambda b, be, vc: (0, 0, 0)),
                pl.BlockSpec((D, DOWN), lambda b, be, vc: (0, 0)),
                pl.BlockSpec((D,), lambda b, be, vc: (0,)),
            ],
            out_specs=pl.BlockSpec((T, D), lambda b, be, vc: (b, 0)),
        ),
        out_shape=jax.ShapeDtypeStruct((NPAD, D), jnp.float32),
        compiler_params=pltpu.CompilerParams(
            dimension_semantics=("arbitrary",)),
    )(bexp, vcnt, xpad, Wdw, bdw3, Wup, bup)


def _sc_gather_rows(outpad, pos2d):
    NPAD, D = outpad.shape
    NW, CH = pos2d.shape
    N = NW * CH
    mesh = plsc.VectorSubcoreMesh(core_axis_name="c", subcore_axis_name="s")

    @functools.partial(
        pl.kernel, mesh=mesh,
        out_type=jax.ShapeDtypeStruct((N, D), jnp.float32),
        scratch_types=[
            pltpu.VMEM((CH,), jnp.int32),
            pltpu.VMEM((CH, D), jnp.float32),
            pltpu.SemaphoreType.DMA,
        ],
    )
    def k(outpad_hbm, pos_hbm, out_hbm, idx_v, rows_v, sem):
        nc = 2
        wid = lax.axis_index("s") * nc + lax.axis_index("c")
        pltpu.sync_copy(pos_hbm.at[wid], idx_v)
        pltpu.async_copy(outpad_hbm.at[idx_v], rows_v, sem).wait()
        pltpu.sync_copy(rows_v, out_hbm.at[pl.ds(wid * CH, CH)])

    return k(outpad, pos2d)


def _sc_scatter_rows(xf, pos2d, npad):
    N, D = xf.shape
    NW, CH = pos2d.shape
    mesh = plsc.VectorSubcoreMesh(core_axis_name="c", subcore_axis_name="s")

    @functools.partial(
        pl.kernel, mesh=mesh,
        out_type=jax.ShapeDtypeStruct((npad, D), jnp.float32),
        scratch_types=[
            pltpu.VMEM((CH,), jnp.int32),
            pltpu.VMEM((CH, D), jnp.float32),
            pltpu.SemaphoreType.DMA,
        ],
    )
    def k(x_hbm, pos_hbm, xpad_hbm, idx_v, rows_v, sem):
        nc = 2
        wid = lax.axis_index("s") * nc + lax.axis_index("c")
        pltpu.sync_copy(pos_hbm.at[wid], idx_v)
        pltpu.sync_copy(x_hbm.at[pl.ds(wid * CH, CH)], rows_v)
        pltpu.async_copy(rows_v, xpad_hbm.at[idx_v], sem).wait()

    return k(xf, pos2d)


def kernel(x, Wg, Wdw, bdw, Wup, bup):
    B, S, D = x.shape
    E, DOWN, _ = Wdw.shape
    N = B * S
    xf = x.reshape(N, D)

    NB = N // T + E
    NBP = -(-NB // 128) * 128
    NPAD = NB * T
    NW = 32

    pos, bexp, vcnt, lb = _route(xf, Wg, NBP)
    pos2d = pos.reshape(NW, N // NW)
    xpad = _sc_scatter_rows(xf, pos2d, NPAD)
    outpad = _fused(xpad, Wdw, bdw.reshape(E, DOWN, 1), Wup, bup,
                    bexp, vcnt, NB)
    out = _sc_gather_rows(outpad, pos2d)
    return out.reshape(B, S, D), lb.reshape(())

# --- scband reference (transcript-rebuilt; emitter-appended) ---
"""Pipeline reference for scband-smo-eadapter-down-33414845563681 (READ-ONLY COPY).

The authoritative reference and input builder live on the scoring server;
editing this copy changes nothing except your own understanding.
"""

import jax, jax.numpy as jnp
import numpy as np

B, S, D = 1, 2048, 1024
E = 64
K = 1
DOWN = D // 16


def gelu_new(x):
    return 0.5 * x * (1.0 + jnp.tanh(jnp.sqrt(2.0 / jnp.pi) * (x + 0.044715 * jnp.power(x, 3.0))))


def setup_inputs(seed: int = 0):
    key = jax.random.key(seed)
    ks = jax.random.split(key, 6)
    x = jax.random.normal(ks[0], (B, S, D), dtype=jnp.float32)
    Wg = jax.random.normal(ks[1], (D, E), dtype=jnp.float32) * (1.0 / np.sqrt(D))
    bound = float(np.sqrt(6.0 / (DOWN + D)))
    Wdw = jax.random.uniform(ks[2], (E, DOWN, D), dtype=jnp.float32, minval=-bound, maxval=bound)
    bdw = jnp.zeros((E, DOWN), dtype=jnp.float32)
    Wup = jax.random.normal(ks[3], (D, DOWN), dtype=jnp.float32) * (1.0 / np.sqrt(DOWN))
    bup = jnp.zeros((D,), dtype=jnp.float32)
    return {"x": x, "Wg": Wg, "Wdw": Wdw, "bdw": bdw, "Wup": Wup, "bup": bup}


def reference(x, Wg, Wdw, bdw, Wup, bup):
    N = B * S
    xf = x.reshape(N, D)
    # TopKGate: linear (no bias) -> top_k -> softmax over top-k -> scatter into full weights
    logits = xf @ Wg  # [N, E]
    top_vals, top_idx = jax.lax.top_k(logits, K)  # [N, K]
    top_w = jax.nn.softmax(top_vals, axis=-1)  # [N, K]
    gate_weights = jnp.zeros_like(logits).at[jnp.arange(N)[:, None], top_idx].set(top_w)  # [N, E]
    # gather back (same as torch.gather of scattered weights)
    tkw = top_w.reshape(-1)  # [N*K]
    tki = top_idx.reshape(-1)  # [N*K]
    indices = jnp.repeat(jnp.arange(N), K)  # [N*K]
    x_sel = jnp.take(xf, indices, axis=0)  # [N*K, D]
    W_e = jnp.take(Wdw, tki, axis=0)  # [N*K, DOWN, D] (expert-weight gather; memory bound)
    b_e = jnp.take(bdw, tki, axis=0)  # [N*K, DOWN]
    expert_out = jnp.einsum('nij,nj->ni', W_e, x_sel) + b_e  # bmm [N*K, DOWN]
    weighted = expert_out * tkw[:, None]
    final = jnp.zeros((N, DOWN), dtype=x.dtype).at[indices].add(weighted)  # index_add_
    final = final.reshape(B, S, DOWN)
    act = gelu_new(final)
    out = act @ Wup.T + bup  # up_sampler Linear(DOWN, D)
    lb_loss = E * jnp.sum(jnp.sum(gate_weights, axis=0) / N * jnp.mean(gate_weights, axis=0)) * 0.1
    return (out, lb_loss)

if __name__ == "__main__":
    import jax
    _d = setup_inputs()
    print(jax.jit(kernel)(*tuple(_d.values())))

</pallas_src>

<mosaic_0001>
#map = affine_map<(d0, d1) -> (0, 0)>
module attributes {stable_mosaic.version = 14 : i64} {
  func.func @k(%arg0: i32, %arg1: i32, %arg2: memref<6144x1024xf32, #tpu.memory_space<hbm>>, %arg3: memref<32x64xi32, #tpu.memory_space<hbm>>, %arg4: memref<2048x1024xf32, #tpu.memory_space<hbm>>, %arg5: memref<64xi32, #tpu.memory_space<vmem>>, %arg6: memref<64x1024xf32, #tpu.memory_space<vmem>>, %arg7: memref<!tpu.dma_semaphore, #tpu.memory_space<semaphore_mem>>) attributes {dimension_semantics = [#tpu.dimension_semantics<core_parallel>, #tpu.dimension_semantics<subcore_parallel>], iteration_bounds = array<i64: 2, 16>, scalar_prefetch = 0 : i64, scratch_operands = 3 : i64, tpu.core_type = #tpu.core_type<sc_vector_subcore>, window_params = [{transform_indices = #map}, {transform_indices = #map}, {transform_indices = #map}]} {
    %mul3A = arith.constant 2 : i32
    %mul3A_0 = arith.muli %arg1, %mul3A : i32
    %add3A = arith.addi %mul3A_0, %arg0 : i32
    "tpu.region"() ({
      %run_scoped3A = tpu.sem_alloc : memref<!tpu.dma_semaphore, #tpu.memory_space<semaphore_mem>>
      %dma_start3A_7 = arith.constant 0 : i32
      %dma_start3A_8 = tpu.memref_slice %arg3[%add3A, %dma_start3A_7] : memref<32x64xi32, #tpu.memory_space<hbm>> -> memref<1x64xi32, #tpu.memory_space<hbm>>
      %dma_start3A_9 = tpu.memref_squeeze %dma_start3A_8 : memref<1x64xi32, #tpu.memory_space<hbm>> -> memref<64xi32, #tpu.memory_space<hbm>>
      %dma_start3A_10 = arith.constant 0 : i32
      %dma_start3A_11 = tpu.memref_slice %arg3[%add3A, %dma_start3A_10] : memref<32x64xi32, #tpu.memory_space<hbm>> -> memref<1x64xi32, #tpu.memory_space<hbm>>
      %dma_start3A_12 = tpu.memref_squeeze %dma_start3A_11 : memref<1x64xi32, #tpu.memory_space<hbm>> -> memref<64xi32, #tpu.memory_space<hbm>>
      tpu.enqueue_dma source(%dma_start3A_12 : memref<64xi32, #tpu.memory_space<hbm>>) target(%arg5 : memref<64xi32, #tpu.memory_space<vmem>>) target_semaphore(%run_scoped3A : memref<!tpu.dma_semaphore, #tpu.memory_space<semaphore_mem>>)
      %dma_wait3A_13 = arith.constant 0 : i32
      %dma_wait3A_14 = tpu.memref_slice %arg3[%add3A, %dma_wait3A_13] : memref<32x64xi32, #tpu.memory_space<hbm>> -> memref<1x64xi32, #tpu.memory_space<hbm>>
      %dma_wait3A_15 = tpu.memref_squeeze %dma_wait3A_14 : memref<1x64xi32, #tpu.memory_space<hbm>> -> memref<64xi32, #tpu.memory_space<hbm>>
      %dma_wait3A_16 = arith.constant 0 : i32
      %dma_wait3A_17 = tpu.memref_slice %arg3[%add3A, %dma_wait3A_16] : memref<32x64xi32, #tpu.memory_space<hbm>> -> memref<1x64xi32, #tpu.memory_space<hbm>>
      %dma_wait3A_18 = tpu.memref_squeeze %dma_wait3A_17 : memref<1x64xi32, #tpu.memory_space<hbm>> -> memref<64xi32, #tpu.memory_space<hbm>>
      tpu.wait_dma2 semaphore(%run_scoped3A : memref<!tpu.dma_semaphore, #tpu.memory_space<semaphore_mem>>) src(%dma_wait3A_18 : memref<64xi32, #tpu.memory_space<hbm>>) dst(%arg5 : memref<64xi32, #tpu.memory_space<vmem>>)
      tpu.yield
    }) : () -> ()
    %dma_start3A = arith.constant 0 : i32
    %dma_start3A_1 = arith.constant 0 : i32
    %dma_start3A_2 = tpu.memref_slice %arg2[%dma_start3A, %dma_start3A_1] : memref<6144x1024xf32, #tpu.memory_space<hbm>> -> memref<6144x1024xf32, #tpu.memory_space<hbm>>
    tpu.enqueue_indirect_dma source(%dma_start3A_2 : memref<6144x1024xf32, #tpu.memory_space<hbm>>) target(%arg6 : memref<64x1024xf32, #tpu.memory_space<vmem>>) offsets(%arg5 : memref<64xi32, #tpu.memory_space<vmem>>) semaphore(%arg7 : memref<!tpu.dma_semaphore, #tpu.memory_space<semaphore_mem>>)
    %dma_wait3A = arith.constant 0 : i32
    %dma_wait3A_3 = arith.constant 0 : i32
    %dma_wait3A_4 = tpu.memref_slice %arg2[%dma_wait3A, %dma_wait3A_3] : memref<6144x1024xf32, #tpu.memory_space<hbm>> -> memref<6144x1024xf32, #tpu.memory_space<hbm>>
    tpu.wait_indirect_dma semaphore(%arg7 : memref<!tpu.dma_semaphore, #tpu.memory_space<semaphore_mem>>) src(%dma_wait3A_4 : memref<6144x1024xf32, #tpu.memory_space<hbm>>) dst(%arg6 : memref<64x1024xf32, #tpu.memory_space<vmem>>)
    %mul3A_5 = arith.constant 64 : i32
    %mul3A_6 = arith.muli %add3A, %mul3A_5 : i32
    "tpu.region"() ({
      %run_scoped3A = tpu.sem_alloc : memref<!tpu.dma_semaphore, #tpu.memory_space<semaphore_mem>>
      %dma_start3A_7 = arith.constant 0 : i32
      %dma_start3A_8 = tpu.memref_slice %arg4[%mul3A_6, %dma_start3A_7] : memref<2048x1024xf32, #tpu.memory_space<hbm>> -> memref<64x1024xf32, #tpu.memory_space<hbm>>
      %dma_start3A_9 = arith.constant 0 : i32
      %dma_start3A_10 = tpu.memref_slice %arg4[%mul3A_6, %dma_start3A_9] : memref<2048x1024xf32, #tpu.memory_space<hbm>> -> memref<64x1024xf32, #tpu.memory_space<hbm>>
      tpu.enqueue_dma source(%arg6 : memref<64x1024xf32, #tpu.memory_space<vmem>>) target(%dma_start3A_10 : memref<64x1024xf32, #tpu.memory_space<hbm>>) target_semaphore(%run_scoped3A : memref<!tpu.dma_semaphore, #tpu.memory_space<semaphore_mem>>)
      %dma_wait3A_11 = arith.constant 0 : i32
      %dma_wait3A_12 = tpu.memref_slice %arg4[%mul3A_6, %dma_wait3A_11] : memref<2048x1024xf32, #tpu.memory_space<hbm>> -> memref<64x1024xf32, #tpu.memory_space<hbm>>
      %dma_wait3A_13 = arith.constant 0 : i32
      %dma_wait3A_14 = tpu.memref_slice %arg4[%mul3A_6, %dma_wait3A_13] : memref<2048x1024xf32, #tpu.memory_space<hbm>> -> memref<64x1024xf32, #tpu.memory_space<hbm>>
      tpu.wait_dma2 semaphore(%run_scoped3A : memref<!tpu.dma_semaphore, #tpu.memory_space<semaphore_mem>>) src(%arg6 : memref<64x1024xf32, #tpu.memory_space<vmem>>) dst(%dma_wait3A_14 : memref<64x1024xf32, #tpu.memory_space<hbm>>)
      tpu.yield
    }) : () -> ()
    return
  }
}

#map = affine_map<(d0, d1) -> (0, 0)>
module attributes {stable_mosaic.version = 14 : i64} {
  func.func @k(%arg0: i32, %arg1: i32, %arg2: memref<2048x1024xf32, #tpu.memory_space<hbm>>, %arg3: memref<32x64xi32, #tpu.memory_space<hbm>>, %arg4: memref<6144x1024xf32, #tpu.memory_space<hbm>>, %arg5: memref<64xi32, #tpu.memory_space<vmem>>, %arg6: memref<64x1024xf32, #tpu.memory_space<vmem>>, %arg7: memref<!tpu.dma_semaphore, #tpu.memory_space<semaphore_mem>>) attributes {dimension_semantics = [#tpu.dimension_semantics<core_parallel>, #tpu.dimension_semantics<subcore_parallel>], iteration_bounds = array<i64: 2, 16>, scalar_prefetch = 0 : i64, scratch_operands = 3 : i64, tpu.core_type = #tpu.core_type<sc_vector_subcore>, window_params = [{transform_indices = #map}, {transform_indices = #map}, {transform_indices = #map}]} {
    %mul3A = arith.constant 2 : i32
    %mul3A_0 = arith.muli %arg1, %mul3A : i32
    %add3A = arith.addi %mul3A_0, %arg0 : i32
    "tpu.region"() ({
      %run_scoped3A = tpu.sem_alloc : memref<!tpu.dma_semaphore, #tpu.memory_space<semaphore_mem>>
      %dma_start3A_7 = arith.constant 0 : i32
      %dma_start3A_8 = tpu.memref_slice %arg3[%add3A, %dma_start3A_7] : memref<32x64xi32, #tpu.memory_space<hbm>> -> memref<1x64xi32, #tpu.memory_space<hbm>>
      %dma_start3A_9 = tpu.memref_squeeze %dma_start3A_8 : memref<1x64xi32, #tpu.memory_space<hbm>> -> memref<64xi32, #tpu.memory_space<hbm>>
      %dma_start3A_10 = arith.constant 0 : i32
      %dma_start3A_11 = tpu.memref_slice %arg3[%add3A, %dma_start3A_10] : memref<32x64xi32, #tpu.memory_space<hbm>> -> memref<1x64xi32, #tpu.memory_space<hbm>>
      %dma_start3A_12 = tpu.memref_squeeze %dma_start3A_11 : memref<1x64xi32, #tpu.memory_space<hbm>> -> memref<64xi32, #tpu.memory_space<hbm>>
      tpu.enqueue_dma source(%dma_start3A_12 : memref<64xi32, #tpu.memory_space<hbm>>) target(%arg5 : memref<64xi32, #tpu.memory_space<vmem>>) target_semaphore(%run_scoped3A : memref<!tpu.dma_semaphore, #tpu.memory_space<semaphore_mem>>)
      %dma_wait3A_13 = arith.constant 0 : i32
      %dma_wait3A_14 = tpu.memref_slice %arg3[%add3A, %dma_wait3A_13] : memref<32x64xi32, #tpu.memory_space<hbm>> -> memref<1x64xi32, #tpu.memory_space<hbm>>
      %dma_wait3A_15 = tpu.memref_squeeze %dma_wait3A_14 : memref<1x64xi32, #tpu.memory_space<hbm>> -> memref<64xi32, #tpu.memory_space<hbm>>
      %dma_wait3A_16 = arith.constant 0 : i32
      %dma_wait3A_17 = tpu.memref_slice %arg3[%add3A, %dma_wait3A_16] : memref<32x64xi32, #tpu.memory_space<hbm>> -> memref<1x64xi32, #tpu.memory_space<hbm>>
      %dma_wait3A_18 = tpu.memref_squeeze %dma_wait3A_17 : memref<1x64xi32, #tpu.memory_space<hbm>> -> memref<64xi32, #tpu.memory_space<hbm>>
      tpu.wait_dma2 semaphore(%run_scoped3A : memref<!tpu.dma_semaphore, #tpu.memory_space<semaphore_mem>>) src(%dma_wait3A_18 : memref<64xi32, #tpu.memory_space<hbm>>) dst(%arg5 : memref<64xi32, #tpu.memory_space<vmem>>)
      tpu.yield
    }) : () -> ()
    %mul3A_1 = arith.constant 64 : i32
    %mul3A_2 = arith.muli %add3A, %mul3A_1 : i32
    "tpu.region"() ({
      %run_scoped3A = tpu.sem_alloc : memref<!tpu.dma_semaphore, #tpu.memory_space<semaphore_mem>>
      %dma_start3A_7 = arith.constant 0 : i32
      %dma_start3A_8 = tpu.memref_slice %arg2[%mul3A_2, %dma_start3A_7] : memref<2048x1024xf32, #tpu.memory_space<hbm>> -> memref<64x1024xf32, #tpu.memory_space<hbm>>
      %dma_start3A_9 = arith.constant 0 : i32
      %dma_start3A_10 = tpu.memref_slice %arg2[%mul3A_2, %dma_start3A_9] : memref<2048x1024xf32, #tpu.memory_space<hbm>> -> memref<64x1024xf32, #tpu.memory_space<hbm>>
      tpu.enqueue_dma source(%dma_start3A_10 : memref<64x1024xf32, #tpu.memory_space<hbm>>) target(%arg6 : memref<64x1024xf32, #tpu.memory_space<vmem>>) target_semaphore(%run_scoped3A : memref<!tpu.dma_semaphore, #tpu.memory_space<semaphore_mem>>)
      %dma_wait3A_11 = arith.constant 0 : i32
      %dma_wait3A_12 = tpu.memref_slice %arg2[%mul3A_2, %dma_wait3A_11] : memref<2048x1024xf32, #tpu.memory_space<hbm>> -> memref<64x1024xf32, #tpu.memory_space<hbm>>
      %dma_wait3A_13 = arith.constant 0 : i32
      %dma_wait3A_14 = tpu.memref_slice %arg2[%mul3A_2, %dma_wait3A_13] : memref<2048x1024xf32, #tpu.memory_space<hbm>> -> memref<64x1024xf32, #tpu.memory_space<hbm>>
      tpu.wait_dma2 semaphore(%run_scoped3A : memref<!tpu.dma_semaphore, #tpu.memory_space<semaphore_mem>>) src(%dma_wait3A_14 : memref<64x1024xf32, #tpu.memory_space<hbm>>) dst(%arg6 : memref<64x1024xf32, #tpu.memory_space<vmem>>)
      tpu.yield
    }) : () -> ()
    %dma_start3A = arith.constant 0 : i32
    %dma_start3A_3 = arith.constant 0 : i32
    %dma_start3A_4 = tpu.memref_slice %arg4[%dma_start3A, %dma_start3A_3] : memref<6144x1024xf32, #tpu.memory_space<hbm>> -> memref<6144x1024xf32, #tpu.memory_space<hbm>>
    tpu.enqueue_indirect_dma source(%arg6 : memref<64x1024xf32, #tpu.memory_space<vmem>>) target(%dma_start3A_4 : memref<6144x1024xf32, #tpu.memory_space<hbm>>) offsets(%arg5 : memref<64xi32, #tpu.memory_space<vmem>>) semaphore(%arg7 : memref<!tpu.dma_semaphore, #tpu.memory_space<semaphore_mem>>)
    %dma_wait3A = arith.constant 0 : i32
    %dma_wait3A_5 = arith.constant 0 : i32
    %dma_wait3A_6 = tpu.memref_slice %arg4[%dma_wait3A, %dma_wait3A_5] : memref<6144x1024xf32, #tpu.memory_space<hbm>> -> memref<6144x1024xf32, #tpu.memory_space<hbm>>
    tpu.wait_indirect_dma semaphore(%arg7 : memref<!tpu.dma_semaphore, #tpu.memory_space<semaphore_mem>>) src(%arg6 : memref<64x1024xf32, #tpu.memory_space<vmem>>) dst(%dma_wait3A_6 : memref<6144x1024xf32, #tpu.memory_space<hbm>>)
    return
  }
}

module attributes {stable_mosaic.version = 14 : i64} {
  func.func @_route_body(%arg0: memref<2048x1024xf32, #tpu.memory_space<vmem>>, %arg1: memref<1024x64xf32, #tpu.memory_space<vmem>>, %arg2: memref<2048xi32, #tpu.memory_space<vmem>>, %arg3: memref<128xi32, #tpu.memory_space<vmem>>, %arg4: memref<128xi32, #tpu.memory_space<vmem>>, %arg5: memref<1x1xf32, #tpu.memory_space<vmem>>) attributes {dimension_semantics = [], scalar_prefetch = 0 : i64, scratch_operands = 0 : i64, tpu.core_type = #tpu.core_type<tc>} {
    %get3A = arith.constant 0 : index
    %get3A_0 = arith.constant 0 : index
    %get3A_1 = vector.load %arg0[%get3A, %get3A_0] : memref<2048x1024xf32, #tpu.memory_space<vmem>>, vector<2048x1024xf32>
    %get3A_2 = arith.constant 0 : index
    %get3A_3 = arith.constant 0 : index
    %get3A_4 = vector.load %arg1[%get3A_2, %get3A_3] : memref<1024x64xf32, #tpu.memory_space<vmem>>, vector<1024x64xf32>
    %dot_general3A = arith.constant dense<0.000000e+00> : vector<2048x64xf32>
    %dot_general3A_5 = tpu.matmul %get3A_1, %get3A_4, %dot_general3A {dimension_numbers = #tpu.dot_dimension_numbers<[1], [0], [0], [1], [0, 0, 1, 1], [], []>, transpose_lhs_hint = false} : vector<2048x1024xf32>, vector<1024x64xf32>, vector<2048x64xf32> -> vector<2048x64xf32>
    %reduce_max3A = arith.constant dense<0xFF800000> : vector<2048xf32>
    %reduce_max3A_6 = vector.multi_reduction <maximumf>, %dot_general3A_5, %reduce_max3A [1] : vector<2048x64xf32> to vector<2048xf32>
    %broadcast_in_dim3A = vector.shape_cast %reduce_max3A_6 : vector<2048xf32> to vector<2048x1xf32>
    %iota3A = tpu.iota {dimensions = array<i32: 1>} : vector<2048x64xi32>
    %eq3A = vector.broadcast %broadcast_in_dim3A : vector<2048x1xf32> to vector<2048x64xf32>
    %eq3A_7 = arith.cmpf oeq, %dot_general3A_5, %eq3A : vector<2048x64xf32>
    %jit3A = arith.constant 64 : i32
    %broadcast_in_dim3A_8 = vector.broadcast %jit3A : i32 to vector<2048x64xi32>
    %select_n3A = arith.select %eq3A_7, %iota3A, %broadcast_in_dim3A_8 : vector<2048x64xi1>, vector<2048x64xi32>
    %reduce_min3A = arith.constant dense<2147483647> : vector<2048xi32>
    %reduce_min3A_9 = vector.multi_reduction <minsi>, %select_n3A, %reduce_min3A [1] : vector<2048x64xi32> to vector<2048xi32>
    %broadcast_in_dim3A_10 = vector.shape_cast %reduce_min3A_9 : vector<2048xi32> to vector<2048x1xi32>
    %eq3A_11 = vector.broadcast %broadcast_in_dim3A_10 : vector<2048x1xi32> to vector<2048x64xi32>
    %eq3A_12 = arith.cmpi eq, %iota3A, %eq3A_11 : vector<2048x64xi32>
    %convert_element_type3A = arith.extui %eq3A_12 : vector<2048x64xi1> to vector<2048x64xi32>
    %convert_element_type3A_13 = arith.sitofp %convert_element_type3A : vector<2048x64xi32> to vector<2048x64xf32>
    %reduce_sum3A = arith.constant dense<0.000000e+00> : vector<64xf32>
    %reduce_sum3A_14 = vector.multi_reduction <add>, %convert_element_type3A_13, %reduce_sum3A [0] : vector<2048x64xf32> to vector<64xf32>
    %mul3A = arith.constant 4.8828125E-4 : f32
    %mul3A_15 = vector.broadcast %mul3A : f32 to vector<64xf32>
    %mul3A_16 = arith.mulf %reduce_sum3A_14, %mul3A_15 : vector<64xf32>
    %mul3A_17 = arith.mulf %mul3A_16, %mul3A_16 : vector<64xf32>
    %reduce_sum3A_18 = vector.shape_cast %mul3A_17 : vector<64xf32> to vector<1x64xf32>
    %reduce_sum3A_19 = arith.constant dense<0.000000e+00> : vector<1xf32>
    %reduce_sum3A_20 = vector.multi_reduction <add>, %reduce_sum3A_18, %reduce_sum3A_19 [1] : vector<1x64xf32> to vector<1xf32>
    %reduce_sum3A_21 = vector.shape_cast %reduce_sum3A_20 : vector<1xf32> to vector<1x1xf32>
    %reduce_sum3A_22 = vector.extract %reduce_sum3A_21[0, 0] : f32 from vector<1x1xf32>
    %mul3A_23 = arith.constant 6.400000e+01 : f32
    %mul3A_24 = arith.mulf %mul3A_23, %reduce_sum3A_22 : f32
    %mul3A_25 = arith.constant 1.000000e-01 : f32
    %mul3A_26 = arith.mulf %mul3A_24, %mul3A_25 : f32
    %broadcast_in_dim3A_27 = vector.broadcast %mul3A_26 : f32 to vector<1x1xf32>
    %swap3A = arith.constant 0 : index
    %swap3A_28 = arith.constant 0 : index
    %swap3A_29 = vector.load %arg5[%swap3A, %swap3A_28] : memref<1x1xf32, #tpu.memory_space<vmem>>, vector<1x1xf32>
    tpu.vector_store %arg5[%swap3A, %swap3A_28], %broadcast_in_dim3A_27 {strides = array<i32>} : memref<1x1xf32, #tpu.memory_space<vmem>>, vector<1x1xf32>,
    %iota3A_30 = tpu.iota {dimensions = array<i32: 0>} : vector<128x128xi32>
    %iota3A_31 = tpu.iota {dimensions = array<i32: 1>} : vector<128x128xi32>
    %lt3A = arith.cmpi slt, %iota3A_31, %iota3A_30 : vector<128x128xi32>
    %convert_element_type3A_32 = arith.extui %lt3A : vector<128x128xi1> to vector<128x128xi32>
    %convert_element_type3A_33 = arith.sitofp %convert_element_type3A_32 : vector<128x128xi32> to vector<128x128xf32>
    %convert_element_type3A_34 = arith.truncf %convert_element_type3A_33 : vector<128x128xf32> to vector<128x128xbf16>
    %convert_element_type3A_35 = arith.truncf %convert_element_type3A_13 : vector<2048x64xf32> to vector<2048x64xbf16>
    %broadcast_in_dim3A_36 = arith.constant 0.000000e+00 : f32
    %broadcast_in_dim3A_37 = vector.broadcast %broadcast_in_dim3A_36 : f32 to vector<1x64xf32>
    %slice3A = vector.extract_strided_slice %convert_element_type3A_35 {offsets = [0, 0], sizes = [128, 64], strides = [1, 1]} : vector<2048x64xbf16> to vector<128x64xbf16>
    %dot_general3A_38 = arith.constant dense<0.000000e+00> : vector<128x64xf32>
    %dot_general3A_39 = tpu.matmul %convert_element_type3A_34, %slice3A, %dot_general3A_38 {dimension_numbers = #tpu.dot_dimension_numbers<[1], [0], [0], [1], [0, 0, 1, 1], [], []>, transpose_lhs_hint = false} : vector<128x128xbf16>, vector<128x64xbf16>, vector<128x64xf32> -> vector<128x64xf32>
    %add3A = vector.broadcast %broadcast_in_dim3A_37 : vector<1x64xf32> to vector<128x64xf32>
    %add3A_40 = arith.addf %dot_general3A_39, %add3A : vector<128x64xf32>
    %convert_element_type3A_41 = arith.extf %slice3A : vector<128x64xbf16> to vector<128x64xf32>
    %reduce_sum3A_42 = arith.constant dense<0.000000e+00> : vector<64xf32>
    %reduce_sum3A_43 = vector.multi_reduction <add>, %convert_element_type3A_41, %reduce_sum3A_42 [0] : vector<128x64xf32> to vector<64xf32>
    %broadcast_in_dim3A_44 = vector.shape_cast %reduce_sum3A_43 : vector<64xf32> to vector<1x64xf32>
    %add3A_45 = arith.addf %broadcast_in_dim3A_37, %broadcast_in_dim3A_44 : vector<1x64xf32>
    %slice3A_46 = vector.extract_strided_slice %convert_element_type3A_35 {offsets = [128, 0], sizes = [128, 64], strides = [1, 1]} : vector<2048x64xbf16> to vector<128x64xbf16>
    %dot_general3A_47 = arith.constant dense<0.000000e+00> : vector<128x64xf32>
    %dot_general3A_48 = tpu.matmul %convert_element_type3A_34, %slice3A_46, %dot_general3A_47 {dimension_numbers = #tpu.dot_dimension_numbers<[1], [0], [0], [1], [0, 0, 1, 1], [], []>, transpose_lhs_hint = false} : vector<128x128xbf16>, vector<128x64xbf16>, vector<128x64xf32> -> vector<128x64xf32>
    %add3A_49 = vector.broadcast %add3A_45 : vector<1x64xf32> to vector<128x64xf32>
    %add3A_50 = arith.addf %dot_general3A_48, %add3A_49 : vector<128x64xf32>
    %convert_element_type3A_51 = arith.extf %slice3A_46 : vector<128x64xbf16> to vector<128x64xf32>
    %reduce_sum3A_52 = arith.constant dense<0.000000e+00> : vector<64xf32>
    %reduce_sum3A_53 = vector.multi_reduction <add>, %convert_element_type3A_51, %reduce_sum3A_52 [0] : vector<128x64xf32> to vector<64xf32>
    %broadcast_in_dim3A_54 = vector.shape_cast %reduce_sum3A_53 : vector<64xf32> to vector<1x64xf32>
    %add3A_55 = arith.addf %add3A_45, %broadcast_in_dim3A_54 : vector<1x64xf32>
    %slice3A_56 = vector.extract_strided_slice %convert_element_type3A_35 {offsets = [256, 0], sizes = [128, 64], strides = [1, 1]} : vector<2048x64xbf16> to vector<128x64xbf16>
    %dot_general3A_57 = arith.constant dense<0.000000e+00> : vector<128x64xf32>
    %dot_general3A_58 = tpu.matmul %convert_element_type3A_34, %slice3A_56, %dot_general3A_57 {dimension_numbers = #tpu.dot_dimension_numbers<[1], [0], [0], [1], [0, 0, 1, 1], [], []>, transpose_lhs_hint = false} : vector<128x128xbf16>, vector<128x64xbf16>, vector<128x64xf32> -> vector<128x64xf32>
    %add3A_59 = vector.broadcast %add3A_55 : vector<1x64xf32> to vector<128x64xf32>
    %add3A_60 = arith.addf %dot_general3A_58, %add3A_59 : vector<128x64xf32>
    %convert_element_type3A_61 = arith.extf %slice3A_56 : vector<128x64xbf16> to vector<128x64xf32>
    %reduce_sum3A_62 = arith.constant dense<0.000000e+00> : vector<64xf32>
    %reduce_sum3A_63 = vector.multi_reduction <add>, %convert_element_type3A_61, %reduce_sum3A_62 [0] : vector<128x64xf32> to vector<64xf32>
    %broadcast_in_dim3A_64 = vector.shape_cast %reduce_sum3A_63 : vector<64xf32> to vector<1x64xf32>
    %add3A_65 = arith.addf %add3A_55, %broadcast_in_dim3A_64 : vector<1x64xf32>
    %slice3A_66 = vector.extract_strided_slice %convert_element_type3A_35 {offsets = [384, 0], sizes = [128, 64], strides = [1, 1]} : vector<2048x64xbf16> to vector<128x64xbf16>
    %dot_general3A_67 = arith.constant dense<0.000000e+00> : vector<128x64xf32>
    %dot_general3A_68 = tpu.matmul %convert_element_type3A_34, %slice3A_66, %dot_general3A_67 {dimension_numbers = #tpu.dot_dimension_numbers<[1], [0], [0], [1], [0, 0, 1, 1], [], []>, transpose_lhs_hint = false} : vector<128x128xbf16>, vector<128x64xbf16>, vector<128x64xf32> -> vector<128x64xf32>
    %add3A_69 = vector.broadcast %add3A_65 : vector<1x64xf32> to vector<128x64xf32>
    %add3A_70 = arith.addf %dot_general3A_68, %add3A_69 : vector<128x64xf32>
    %convert_element_type3A_71 = arith.extf %slice3A_66 : vector<128x64xbf16> to vector<128x64xf32>
    %reduce_sum3A_72 = arith.constant dense<0.000000e+00> : vector<64xf32>
    %reduce_sum3A_73 = vector.multi_reduction <add>, %convert_element_type3A_71, %reduce_sum3A_72 [0] : vector<128x64xf32> to vector<64xf32>
    %broadcast_in_dim3A_74 = vector.shape_cast %reduce_sum3A_73 : vector<64xf32> to vector<1x64xf32>
    %add3A_75 = arith.addf %add3A_65, %broadcast_in_dim3A_74 : vector<1x64xf32>
    %slice3A_76 = vector.extract_strided_slice %convert_element_type3A_35 {offsets = [512, 0], sizes = [128, 64], strides = [1, 1]} : vector<2048x64xbf16> to vector<128x64xbf16>
    %dot_general3A_77 = arith.constant dense<0.000000e+00> : vector<128x64xf32>
    %dot_general3A_78 = tpu.matmul %convert_element_type3A_34, %slice3A_76, %dot_general3A_77 {dimension_numbers = #tpu.dot_dimension_numbers<[1], [0], [0], [1], [0, 0, 1, 1], [], []>, transpose_lhs_hint = false} : vector<128x128xbf16>, vector<128x64xbf16>, vector<128x64xf32> -> vector<128x64xf32>
    %add3A_79 = vector.broadcast %add3A_75 : vector<1x64xf32> to vector<128x64xf32>
    %add3A_80 = arith.addf %dot_general3A_78, %add3A_79 : vector<128x64xf32>
    %convert_element_type3A_81 = arith.extf %slice3A_76 : vector<128x64xbf16> to vector<128x64xf32>
    %reduce_sum3A_82 = arith.constant dense<0.000000e+00> : vector<64xf32>
    %reduce_sum3A_83 = vector.multi_reduction <add>, %convert_element_type3A_81, %reduce_sum3A_82 [0] : vector<128x64xf32> to vector<64xf32>
    %broadcast_in_dim3A_84 = vector.shape_cast %reduce_sum3A_83 : vector<64xf32> to vector<1x64xf32>
    %add3A_85 = arith.addf %add3A_75, %broadcast_in_dim3A_84 : vector<1x64xf32>
    %slice3A_86 = vector.extract_strided_slice %convert_element_type3A_35 {offsets = [640, 0], sizes = [128, 64], strides = [1, 1]} : vector<2048x64xbf16> to vector<128x64xbf16>
    %dot_general3A_87 = arith.constant dense<0.000000e+00> : vector<128x64xf32>
    %dot_general3A_88 = tpu.matmul %convert_element_type3A_34, %slice3A_86, %dot_general3A_87 {dimension_numbers = #tpu.dot_dimension_numbers<[1], [0], [0], [1], [0, 0, 1, 1], [], []>, transpose_lhs_hint = false} : vector<128x128xbf16>, vector<128x64xbf16>, vector<128x64xf32> -> vector<128x64xf32>
    %add3A_89 = vector.broadcast %add3A_85 : vector<1x64xf32> to vector<128x64xf32>
    %add3A_90 = arith.addf %dot_general3A_88, %add3A_89 : vector<128x64xf32>
    %convert_element_type3A_91 = arith.extf %slice3A_86 : vector<128x64xbf16> to vector<128x64xf32>
    %reduce_sum3A_92 = arith.constant dense<0.000000e+00> : vector<64xf32>
    %reduce_sum3A_93 = vector.multi_reduction <add>, %convert_element_type3A_91, %reduce_sum3A_92 [0] : vector<128x64xf32> to vector<64xf32>
    %broadcast_in_dim3A_94 = vector.shape_cast %reduce_sum3A_93 : vector<64xf32> to vector<1x64xf32>
    %add3A_95 = arith.addf %add3A_85, %broadcast_in_dim3A_94 : vector<1x64xf32>
    %slice3A_96 = vector.extract_strided_slice %convert_element_type3A_35 {offsets = [768, 0], sizes = [128, 64], strides = [1, 1]} : vector<2048x64xbf16> to vector<128x64xbf16>
    %dot_general3A_97 = arith.constant dense<0.000000e+00> : vector<128x64xf32>
    %dot_general3A_98 = tpu.matmul %convert_element_type3A_34, %slice3A_96, %dot_general3A_97 {dimension_numbers = #tpu.dot_dimension_numbers<[1], [0], [0], [1], [0, 0, 1, 1], [], []>, transpose_lhs_hint = false} : vector<128x128xbf16>, vector<128x64xbf16>, vector<128x64xf32> -> vector<128x64xf32>
    %add3A_99 = vector.broadcast %add3A_95 : vector<1x64xf32> to vector<128x64xf32>
    %add3A_100 = arith.addf %dot_general3A_98, %add3A_99 : vector<128x64xf32>
    %convert_element_type3A_101 = arith.extf %slice3A_96 : vector<128x64xbf16> to vector<128x64xf32>
    %reduce_sum3A_102 = arith.constant dense<0.000000e+00> : vector<64xf32>
    %reduce_sum3A_103 = vector.multi_reduction <add>, %convert_element_type3A_101, %reduce_sum3A_102 [0] : vector<128x64xf32> to vector<64xf32>
    %broadcast_in_dim3A_104 = vector.shape_cast %reduce_sum3A_103 : vector<64xf32> to vector<1x64xf32>
    %add3A_105 = arith.addf %add3A_95, %broadcast_in_dim3A_104 : vector<1x64xf32>
    %slice3A_106 = vector.extract_strided_slice %convert_element_type3A_35 {offsets = [896, 0], sizes = [128, 64], strides = [1, 1]} : vector<2048x64xbf16> to vector<128x64xbf16>
    %dot_general3A_107 = arith.constant dense<0.000000e+00> : vector<128x64xf32>
    %dot_general3A_108 = tpu.matmul %convert_element_type3A_34, %slice3A_106, %dot_general3A_107 {dimension_numbers = #tpu.dot_dimension_numbers<[1], [0], [0], [1], [0, 0, 1, 1], [], []>, transpose_lhs_hint = false} : vector<128x128xbf16>, vector<128x64xbf16>, vector<128x64xf32> -> vector<128x64xf32>
    %add3A_109 = vector.broadcast %add3A_105 : vector<1x64xf32> to vector<128x64xf32>
    %add3A_110 = arith.addf %dot_general3A_108, %add3A_109 : vector<128x64xf32>
    %convert_element_type3A_111 = arith.extf %slice3A_106 : vector<128x64xbf16> to vector<128x64xf32>
    %reduce_sum3A_112 = arith.constant dense<0.000000e+00> : vector<64xf32>
    %reduce_sum3A_113 = vector.multi_reduction <add>, %convert_element_type3A_111, %reduce_sum3A_112 [0] : vector<128x64xf32> to vector<64xf32>
    %broadcast_in_dim3A_114 = vector.shape_cast %reduce_sum3A_113 : vector<64xf32> to vector<1x64xf32>
    %add3A_115 = arith.addf %add3A_105, %broadcast_in_dim3A_114 : vector<1x64xf32>
    %slice3A_116 = vector.extract_strided_slice %convert_element_type3A_35 {offsets = [1024, 0], sizes = [128, 64], strides = [1, 1]} : vector<2048x64xbf16> to vector<128x64xbf16>
    %dot_general3A_117 = arith.constant dense<0.000000e+00> : vector<128x64xf32>
    %dot_general3A_118 = tpu.matmul %convert_element_type3A_34, %slice3A_116, %dot_general3A_117 {dimension_numbers = #tpu.dot_dimension_numbers<[1], [0], [0], [1], [0, 0, 1, 1], [], []>, transpose_lhs_hint = false} : vector<128x128xbf16>, vector<128x64xbf16>, vector<128x64xf32> -> vector<128x64xf32>
    %add3A_119 = vector.broadcast %add3A_115 : vector<1x64xf32> to vector<128x64xf32>
    %add3A_120 = arith.addf %dot_general3A_118, %add3A_119 : vector<128x64xf32>
    %convert_element_type3A_121 = arith.extf %slice3A_116 : vector<128x64xbf16> to vector<128x64xf32>
    %reduce_sum3A_122 = arith.constant dense<0.000000e+00> : vector<64xf32>
    %reduce_sum3A_123 = vector.multi_reduction <add>, %convert_element_type3A_121, %reduce_sum3A_122 [0] : vector<128x64xf32> to vector<64xf32>
    %broadcast_in_dim3A_124 = vector.shape_cast %reduce_sum3A_123 : vector<64xf32> to vector<1x64xf32>
    %add3A_125 = arith.addf %add3A_115, %broadcast_in_dim3A_124 : vector<1x64xf32>
    %slice3A_126 = vector.extract_strided_slice %convert_element_type3A_35 {offsets = [1152, 0], sizes = [128, 64], strides = [1, 1]} : vector<2048x64xbf16> to vector<128x64xbf16>
    %dot_general3A_127 = arith.constant dense<0.000000e+00> : vector<128x64xf32>
    %dot_general3A_128 = tpu.matmul %convert_element_type3A_34, %slice3A_126, %dot_general3A_127 {dimension_numbers = #tpu.dot_dimension_numbers<[1], [0], [0], [1], [0, 0, 1, 1], [], []>, transpose_lhs_hint = false} : vector<128x128xbf16>, vector<128x64xbf16>, vector<128x64xf32> -> vector<128x64xf32>
    %add3A_129 = vector.broadcast %add3A_125 : vector<1x64xf32> to vector<128x64xf32>
    %add3A_130 = arith.addf %dot_general3A_128, %add3A_129 : vector<128x64xf32>
    %convert_element_type3A_131 = arith.extf %slice3A_126 : vector<128x64xbf16> to vector<128x64xf32>
    %reduce_sum3A_132 = arith.constant dense<0.000000e+00> : vector<64xf32>
    %reduce_sum3A_133 = vector.multi_reduction <add>, %convert_element_type3A_131, %reduce_sum3A_132 [0] : vector<128x64xf32> to vector<64xf32>
    %broadcast_in_dim3A_134 = vector.shape_cast %reduce_sum3A_133 : vector<64xf32> to vector<1x64xf32>
    %add3A_135 = arith.addf %add3A_125, %broadcast_in_dim3A_134 : vector<1x64xf32>
    %slice3A_136 = vector.extract_strided_slice %convert_element_type3A_35 {offsets = [1280, 0], sizes = [128, 64], strides = [1, 1]} : vector<2048x64xbf16> to vector<128x64xbf16>
    %dot_general3A_137 = arith.constant dense<0.000000e+00> : vector<128x64xf32>
    %dot_general3A_138 = tpu.matmul %convert_element_type3A_34, %slice3A_136, %dot_general3A_137 {dimension_numbers = #tpu.dot_dimension_numbers<[1], [0], [0], [1], [0, 0, 1, 1], [], []>, transpose_lhs_hint = false} : vector<128x128xbf16>, vector<128x64xbf16>, vector<128x64xf32> -> vector<128x64xf32>
    %add3A_139 = vector.broadcast %add3A_135 : vector<1x64xf32> to vector<128x64xf32>
    %add3A_140 = arith.addf %dot_general3A_138, %add3A_139 : vector<128x64xf32>
    %convert_element_type3A_141 = arith.extf %slice3A_136 : vector<128x64xbf16> to vector<128x64xf32>
    %reduce_sum3A_142 = arith.constant dense<0.000000e+00> : vector<64xf32>
    %reduce_sum3A_143 = vector.multi_reduction <add>, %convert_element_type3A_141, %reduce_sum3A_142 [0] : vector<128x64xf32> to vector<64xf32>
    %broadcast_in_dim3A_144 = vector.shape_cast %reduce_sum3A_143 : vector<64xf32> to vector<1x64xf32>
    %add3A_145 = arith.addf %add3A_135, %broadcast_in_dim3A_144 : vector<1x64xf32>
    %slice3A_146 = vector.extract_strided_slice %convert_element_type3A_35 {offsets = [1408, 0], sizes = [128, 64], strides = [1, 1]} : vector<2048x64xbf16> to vector<128x64xbf16>
    %dot_general3A_147 = arith.constant dense<0.000000e+00> : vector<128x64xf32>
    %dot_general3A_148 = tpu.matmul %convert_element_type3A_34, %slice3A_146, %dot_general3A_147 {dimension_numbers = #tpu.dot_dimension_numbers<[1], [0], [0], [1], [0, 0, 1, 1], [], []>, transpose_lhs_hint = false} : vector<128x128xbf16>, vector<128x64xbf16>, vector<128x64xf32> -> vector<128x64xf32>
    %add3A_149 = vector.broadcast %add3A_145 : vector<1x64xf32> to vector<128x64xf32>
    %add3A_150 = arith.addf %dot_general3A_148, %add3A_149 : vector<128x64xf32>
    %convert_element_type3A_151 = arith.extf %slice3A_146 : vector<128x64xbf16> to vector<128x64xf32>
    %reduce_sum3A_152 = arith.constant dense<0.000000e+00> : vector<64xf32>
    %reduce_sum3A_153 = vector.multi_reduction <add>, %convert_element_type3A_151, %reduce_sum3A_152 [0] : vector<128x64xf32> to vector<64xf32>
    %broadcast_in_dim3A_154 = vector.shape_cast %reduce_sum3A_153 : vector<64xf32> to vector<1x64xf32>
    %add3A_155 = arith.addf %add3A_145, %broadcast_in_dim3A_154 : vector<1x64xf32>
    %slice3A_156 = vector.extract_strided_slice %convert_element_type3A_35 {offsets = [1536, 0], sizes = [128, 64], strides = [1, 1]} : vector<2048x64xbf16> to vector<128x64xbf16>
    %dot_general3A_157 = arith.constant dense<0.000000e+00> : vector<128x64xf32>
    %dot_general3A_158 = tpu.matmul %convert_element_type3A_34, %slice3A_156, %dot_general3A_157 {dimension_numbers = #tpu.dot_dimension_numbers<[1], [0], [0], [1], [0, 0, 1, 1], [], []>, transpose_lhs_hint = false} : vector<128x128xbf16>, vector<128x64xbf16>, vector<128x64xf32> -> vector<128x64xf32>
    %add3A_159 = vector.broadcast %add3A_155 : vector<1x64xf32> to vector<128x64xf32>
    %add3A_160 = arith.addf %dot_general3A_158, %add3A_159 : vector<128x64xf32>
    %convert_element_type3A_161 = arith.extf %slice3A_156 : vector<128x64xbf16> to vector<128x64xf32>
    %reduce_sum3A_162 = arith.constant dense<0.000000e+00> : vector<64xf32>
    %reduce_sum3A_163 = vector.multi_reduction <add>, %convert_element_type3A_161, %reduce_sum3A_162 [0] : vector<128x64xf32> to vector<64xf32>
    %broadcast_in_dim3A_164 = vector.shape_cast %reduce_sum3A_163 : vector<64xf32> to vector<1x64xf32>
    %add3A_165 = arith.addf %add3A_155, %broadcast_in_dim3A_164 : vector<1x64xf32>
    %slice3A_166 = vector.extract_strided_slice %convert_element_type3A_35 {offsets = [1664, 0], sizes = [128, 64], strides = [1, 1]} : vector<2048x64xbf16> to vector<128x64xbf16>
    %dot_general3A_167 = arith.constant dense<0.000000e+00> : vector<128x64xf32>
    %dot_general3A_168 = tpu.matmul %convert_element_type3A_34, %slice3A_166, %dot_general3A_167 {dimension_numbers = #tpu.dot_dimension_numbers<[1], [0], [0], [1], [0, 0, 1, 1], [], []>, transpose_lhs_hint = false} : vector<128x128xbf16>, vector<128x64xbf16>, vector<128x64xf32> -> vector<128x64xf32>
    %add3A_169 = vector.broadcast %add3A_165 : vector<1x64xf32> to vector<128x64xf32>
    %add3A_170 = arith.addf %dot_general3A_168, %add3A_169 : vector<128x64xf32>
    %convert_element_type3A_171 = arith.extf %slice3A_166 : vector<128x64xbf16> to vector<128x64xf32>
    %reduce_sum3A_172 = arith.constant dense<0.000000e+00> : vector<64xf32>
    %reduce_sum3A_173 = vector.multi_reduction <add>, %convert_element_type3A_171, %reduce_sum3A_172 [0] : vector<128x64xf32> to vector<64xf32>
    %broadcast_in_dim3A_174 = vector.shape_cast %reduce_sum3A_173 : vector<64xf32> to vector<1x64xf32>
    %add3A_175 = arith.addf %add3A_165, %broadcast_in_dim3A_174 : vector<1x64xf32>
    %slice3A_176 = vector.extract_strided_slice %convert_element_type3A_35 {offsets = [1792, 0], sizes = [128, 64], strides = [1, 1]} : vector<2048x64xbf16> to vector<128x64xbf16>
    %dot_general3A_177 = arith.constant dense<0.000000e+00> : vector<128x64xf32>
    %dot_general3A_178 = tpu.matmul %convert_element_type3A_34, %slice3A_176, %dot_general3A_177 {dimension_numbers = #tpu.dot_dimension_numbers<[1], [0], [0], [1], [0, 0, 1, 1], [], []>, transpose_lhs_hint = false} : vector<128x128xbf16>, vector<128x64xbf16>, vector<128x64xf32> -> vector<128x64xf32>
    %add3A_179 = vector.broadcast %add3A_175 : vector<1x64xf32> to vector<128x64xf32>
    %add3A_180 = arith.addf %dot_general3A_178, %add3A_179 : vector<128x64xf32>
    %convert_element_type3A_181 = arith.extf %slice3A_176 : vector<128x64xbf16> to vector<128x64xf32>
    %reduce_sum3A_182 = arith.constant dense<0.000000e+00> : vector<64xf32>
    %reduce_sum3A_183 = vector.multi_reduction <add>, %convert_element_type3A_181, %reduce_sum3A_182 [0] : vector<128x64xf32> to vector<64xf32>
    %broadcast_in_dim3A_184 = vector.shape_cast %reduce_sum3A_183 : vector<64xf32> to vector<1x64xf32>
    %add3A_185 = arith.addf %add3A_175, %broadcast_in_dim3A_184 : vector<1x64xf32>
    %slice3A_186 = vector.extract_strided_slice %convert_element_type3A_35 {offsets = [1920, 0], sizes = [128, 64], strides = [1, 1]} : vector<2048x64xbf16> to vector<128x64xbf16>
    %dot_general3A_187 = arith.constant dense<0.000000e+00> : vector<128x64xf32>
    %dot_general3A_188 = tpu.matmul %convert_element_type3A_34, %slice3A_186, %dot_general3A_187 {dimension_numbers = #tpu.dot_dimension_numbers<[1], [0], [0], [1], [0, 0, 1, 1], [], []>, transpose_lhs_hint = false} : vector<128x128xbf16>, vector<128x64xbf16>, vector<128x64xf32> -> vector<128x64xf32>
    %add3A_189 = vector.broadcast %add3A_185 : vector<1x64xf32> to vector<128x64xf32>
    %add3A_190 = arith.addf %dot_general3A_188, %add3A_189 : vector<128x64xf32>
    %concatenate3A = tpu.concatenate %add3A_40, %add3A_50, %add3A_60, %add3A_70, %add3A_80, %add3A_90, %add3A_100, %add3A_110, %add3A_120, %add3A_130, %add3A_140, %add3A_150, %add3A_160, %add3A_170, %add3A_180, %add3A_190 in 0 : vector<128x64xf32>, vector<128x64xf32>, vector<128x64xf32>, vector<128x64xf32>, vector<128x64xf32>, vector<128x64xf32>, vector<128x64xf32>, vector<128x64xf32>, vector<128x64xf32>, vector<128x64xf32>, vector<128x64xf32>, vector<128x64xf32>, vector<128x64xf32>, vector<128x64xf32>, vector<128x64xf32>, vector<128x64xf32> -> vector<2048x64xf32>
    %mul3A_191 = arith.mulf %concatenate3A, %convert_element_type3A_13 : vector<2048x64xf32>
    %reduce_sum3A_192 = arith.constant dense<0.000000e+00> : vector<2048xf32>
    %reduce_sum3A_193 = vector.multi_reduction <add>, %mul3A_191, %reduce_sum3A_192 [1] : vector<2048x64xf32> to vector<2048xf32>
    %add3A_194 = arith.constant 6.300000e+01 : f32
    %add3A_195 = vector.broadcast %add3A_194 : f32 to vector<64xf32>
    %add3A_196 = arith.addf %reduce_sum3A_14, %add3A_195 : vector<64xf32>
    %mul3A_197 = arith.constant 1.562500e-02 : f32
    %mul3A_198 = vector.broadcast %mul3A_197 : f32 to vector<64xf32>
    %mul3A_199 = arith.mulf %add3A_196, %mul3A_198 : vector<64xf32>
    %floor3A = math.floor %mul3A_199 : vector<64xf32>
    %iota3A_200 = tpu.iota {dimensions = array<i32: 0>} : vector<64x64xi32>
    %iota3A_201 = tpu.iota {dimensions = array<i32: 1>} : vector<64x64xi32>
    %lt3A_202 = arith.cmpi slt, %iota3A_201, %iota3A_200 : vector<64x64xi32>
    %convert_element_type3A_203 = arith.extui %lt3A_202 : vector<64x64xi1> to vector<64x64xi32>
    %convert_element_type3A_204 = arith.sitofp %convert_element_type3A_203 : vector<64x64xi32> to vector<64x64xf32>
    %broadcast_in_dim3A_205 = vector.shape_cast %floor3A : vector<64xf32> to vector<1x64xf32>
    %mul3A_206 = vector.broadcast %broadcast_in_dim3A_205 : vector<1x64xf32> to vector<64x64xf32>
    %mul3A_207 = arith.mulf %convert_element_type3A_204, %mul3A_206 : vector<64x64xf32>
    %reduce_sum3A_208 = arith.constant dense<0.000000e+00> : vector<64xf32>
    %reduce_sum3A_209 = vector.multi_reduction <add>, %mul3A_207, %reduce_sum3A_208 [1] : vector<64x64xf32> to vector<64xf32>
    %mul3A_210 = arith.constant 6.400000e+01 : f32
    %mul3A_211 = vector.broadcast %mul3A_210 : f32 to vector<64xf32>
    %mul3A_212 = arith.mulf %reduce_sum3A_209, %mul3A_211 : vector<64xf32>
    %broadcast_in_dim3A_213 = vector.shape_cast %mul3A_212 : vector<64xf32> to vector<1x64xf32>
    %mul3A_214 = vector.broadcast %broadcast_in_dim3A_213 : vector<1x64xf32> to vector<2048x64xf32>
    %mul3A_215 = arith.mulf %convert_element_type3A_13, %mul3A_214 : vector<2048x64xf32>
    %reduce_sum3A_216 = arith.constant dense<0.000000e+00> : vector<2048xf32>
    %reduce_sum3A_217 = vector.multi_reduction <add>, %mul3A_215, %reduce_sum3A_216 [1] : vector<2048x64xf32> to vector<2048xf32>
    %add3A_218 = arith.addf %reduce_sum3A_217, %reduce_sum3A_193 : vector<2048xf32>
    %convert_element_type3A_219 = arith.fptosi %add3A_218 : vector<2048xf32> to vector<2048xi32>
    %swap3A_220 = arith.constant 0 : index
    %swap3A_221 = vector.load %arg2[%swap3A_220] : memref<2048xi32, #tpu.memory_space<vmem>>, vector<2048xi32>
    tpu.vector_store %arg2[%swap3A_220], %convert_element_type3A_219 {strides = array<i32>} : memref<2048xi32, #tpu.memory_space<vmem>>, vector<2048xi32>,
    %iota3A_222 = tpu.iota {dimensions = array<i32: 0>} : vector<128x64xi32>
    %convert_element_type3A_223 = arith.sitofp %iota3A_222 : vector<128x64xi32> to vector<128x64xf32>
    %iota3A_224 = tpu.iota {dimensions = array<i32: 1>} : vector<128x64xi32>
    %convert_element_type3A_225 = arith.sitofp %iota3A_224 : vector<128x64xi32> to vector<128x64xf32>
    %broadcast_in_dim3A_226 = vector.shape_cast %reduce_sum3A_209 : vector<64xf32> to vector<1x64xf32>
    %ge3A = vector.broadcast %broadcast_in_dim3A_226 : vector<1x64xf32> to vector<128x64xf32>
    %ge3A_227 = arith.cmpf oge, %convert_element_type3A_223, %ge3A : vector<128x64xf32>
    %add3A_228 = arith.addf %reduce_sum3A_209, %floor3A : vector<64xf32>
    %broadcast_in_dim3A_229 = vector.shape_cast %add3A_228 : vector<64xf32> to vector<1x64xf32>
    %lt3A_230 = vector.broadcast %broadcast_in_dim3A_229 : vector<1x64xf32> to vector<128x64xf32>
    %lt3A_231 = arith.cmpf olt, %convert_element_type3A_223, %lt3A_230 : vector<128x64xf32>
    %and3A = arith.andi %ge3A_227, %lt3A_231 : vector<128x64xi1>
    %convert_element_type3A_232 = arith.extui %and3A : vector<128x64xi1> to vector<128x64xi32>
    %convert_element_type3A_233 = arith.sitofp %convert_element_type3A_232 : vector<128x64xi32> to vector<128x64xf32>
    %mul3A_234 = arith.mulf %convert_element_type3A_233, %convert_element_type3A_225 : vector<128x64xf32>
    %reduce_sum3A_235 = arith.constant dense<0.000000e+00> : vector<128xf32>
    %reduce_sum3A_236 = vector.multi_reduction <add>, %mul3A_234, %reduce_sum3A_235 [1] : vector<128x64xf32> to vector<128xf32>
    %convert_element_type3A_237 = arith.fptosi %reduce_sum3A_236 : vector<128xf32> to vector<128xi32>
    %swap3A_238 = arith.constant 0 : index
    %swap3A_239 = vector.load %arg3[%swap3A_238] : memref<128xi32, #tpu.memory_space<vmem>>, vector<128xi32>
    tpu.vector_store %arg3[%swap3A_238], %convert_element_type3A_237 {strides = array<i32>} : memref<128xi32, #tpu.memory_space<vmem>>, vector<128xi32>,
    %broadcast_in_dim3A_240 = vector.shape_cast %reduce_sum3A_14 : vector<64xf32> to vector<1x64xf32>
    %broadcast_in_dim3A_241 = vector.shape_cast %reduce_sum3A_209 : vector<64xf32> to vector<1x64xf32>
    %sub3A = vector.broadcast %broadcast_in_dim3A_241 : vector<1x64xf32> to vector<128x64xf32>
    %sub3A_242 = arith.subf %convert_element_type3A_223, %sub3A : vector<128x64xf32>
    %mul3A_243 = arith.constant 6.400000e+01 : f32
    %mul3A_244 = vector.broadcast %mul3A_243 : f32 to vector<128x64xf32>
    %mul3A_245 = arith.mulf %sub3A_242, %mul3A_244 : vector<128x64xf32>
    %sub3A_246 = vector.broadcast %broadcast_in_dim3A_240 : vector<1x64xf32> to vector<128x64xf32>
    %sub3A_247 = arith.subf %sub3A_246, %mul3A_245 : vector<128x64xf32>
    %jit3A_248 = arith.constant 0.000000e+00 : f32
    %jit3A_249 = arith.constant 6.400000e+01 : f32
    %max3A = vector.broadcast %jit3A_248 : f32 to vector<128x64xf32>
    %max3A_250 = arith.maximumf %max3A, %sub3A_247 : vector<128x64xf32>
    %min3A = vector.broadcast %jit3A_249 : f32 to vector<128x64xf32>
    %min3A_251 = arith.minimumf %min3A, %max3A_250 : vector<128x64xf32>
    %mul3A_252 = arith.mulf %convert_element_type3A_233, %min3A_251 : vector<128x64xf32>
    %reduce_sum3A_253 = arith.constant dense<0.000000e+00> : vector<128xf32>
    %reduce_sum3A_254 = vector.multi_reduction <add>, %mul3A_252, %reduce_sum3A_253 [1] : vector<128x64xf32> to vector<128xf32>
    %convert_element_type3A_255 = arith.fptosi %reduce_sum3A_254 : vector<128xf32> to vector<128xi32>
    %swap3A_256 = arith.constant 0 : index
    %swap3A_257 = vector.load %arg4[%swap3A_256] : memref<128xi32, #tpu.memory_space<vmem>>, vector<128xi32>
    tpu.vector_store %arg4[%swap3A_256], %convert_element_type3A_255 {strides = array<i32>} : memref<128xi32, #tpu.memory_space<vmem>>, vector<128xi32>,
    return
  }
}

module attributes {stable_mosaic.version = 14 : i64} {
  func.func @_fused_body(%arg0: i32, %arg1: memref<128xi32, #tpu.memory_space<smem>>, %arg2: memref<128xi32, #tpu.memory_space<smem>>, %arg3: memref<64x1024xf32, #tpu.memory_space<vmem>>, %arg4: memref<64x64x1024xf32, #tpu.memory_space<vmem>>, %arg5: memref<64x64x1xf32, #tpu.memory_space<vmem>>, %arg6: memref<1024x64xf32, #tpu.memory_space<vmem>>, %arg7: memref<1024xf32, #tpu.memory_space<vmem>>, %arg8: memref<64x1024xf32, #tpu.memory_space<vmem>>) attributes {dimension_semantics = [#tpu.dimension_semantics<arbitrary>], iteration_bounds = array<i64: 96>, scalar_prefetch = 2 : i64, scratch_operands = 0 : i64, tpu.core_type = #tpu.core_type<tc>, window_params = [{transform_indices = @transform_0, window_bounds = array<i64: 64, 1024>}, {pipeline_mode = #tpu.pipeline_mode<synchronous>, transform_indices = @transform_1, window_bounds = array<i64: 64, 64, 1024>}, {pipeline_mode = #tpu.pipeline_mode<synchronous>, transform_indices = @transform_2, window_bounds = array<i64: 64, 64, 1>}, {pipeline_mode = #tpu.pipeline_mode<synchronous>, transform_indices = @transform_3, window_bounds = array<i64: 1024, 64>}, {pipeline_mode = #tpu.pipeline_mode<synchronous>, transform_indices = @transform_4, window_bounds = array<i64: 1024>}, {transform_indices = @transform_5, window_bounds = array<i64: 64, 1024>}]} {
    %get3A = arith.index_cast %arg0 : i32 to index
    %get3A_0 = memref.load %arg1[%get3A] : memref<128xi32, #tpu.memory_space<smem>>
    %get3A_1 = arith.index_cast %get3A_0 : i32 to index
    %get3A_2 = arith.constant 0 : index
    %get3A_3 = arith.constant 0 : index
    %get3A_4 = vector.load %arg4[%get3A_1, %get3A_2, %get3A_3] : memref<64x64x1024xf32, #tpu.memory_space<vmem>>, vector<1x64x1024xf32>
    %get3A_5 = vector.shape_cast %get3A_4 : vector<1x64x1024xf32> to vector<64x1024xf32>
    %convert_element_type3A = arith.truncf %get3A_5 : vector<64x1024xf32> to vector<64x1024xbf16>
    %get3A_6 = arith.constant 0 : index
    %get3A_7 = arith.constant 0 : index
    %get3A_8 = vector.load %arg3[%get3A_6, %get3A_7] : memref<64x1024xf32, #tpu.memory_space<vmem>>, vector<64x1024xf32>
    %convert_element_type3A_9 = arith.truncf %get3A_8 : vector<64x1024xf32> to vector<64x1024xbf16>
    %dot_general3A = arith.constant dense<0.000000e+00> : vector<64x64xf32>
    %dot_general3A_10 = tpu.matmul %convert_element_type3A, %convert_element_type3A_9, %dot_general3A {dimension_numbers = #tpu.dot_dimension_numbers<[1], [1], [0], [0], [0, 0, 1, 0], [], []>, transpose_lhs_hint = false} : vector<64x1024xbf16>, vector<64x1024xbf16>, vector<64x64xf32> -> vector<64x64xf32>
    %get3A_11 = arith.index_cast %get3A_0 : i32 to index
    %get3A_12 = arith.constant 0 : index
    %get3A_13 = arith.constant 0 : index
    %get3A_14 = vector.load %arg5[%get3A_11, %get3A_12, %get3A_13] : memref<64x64x1xf32, #tpu.memory_space<vmem>>, vector<1x64x1xf32>
    %get3A_15 = vector.shape_cast %get3A_14 : vector<1x64x1xf32> to vector<64x1xf32>
    %add3A = vector.broadcast %get3A_15 : vector<64x1xf32> to vector<64x64xf32>
    %add3A_16 = arith.addf %dot_general3A_10, %add3A : vector<64x64xf32>
    %mul3A = arith.constant 5.000000e-01 : f32
    %mul3A_17 = vector.broadcast %mul3A : f32 to vector<64x64xf32>
    %mul3A_18 = arith.mulf %mul3A_17, %add3A_16 : vector<64x64xf32>
    %mul3A_19 = arith.constant 4.471500e-02 : f32
    %mul3A_20 = vector.broadcast %mul3A_19 : f32 to vector<64x64xf32>
    %mul3A_21 = arith.mulf %mul3A_20, %add3A_16 : vector<64x64xf32>
    %mul3A_22 = arith.mulf %mul3A_21, %add3A_16 : vector<64x64xf32>
    %mul3A_23 = arith.mulf %mul3A_22, %add3A_16 : vector<64x64xf32>
    %add3A_24 = arith.addf %add3A_16, %mul3A_23 : vector<64x64xf32>
    %mul3A_25 = arith.constant 0.797884583 : f32
    %mul3A_26 = vector.broadcast %mul3A_25 : f32 to vector<64x64xf32>
    %mul3A_27 = arith.mulf %mul3A_26, %add3A_24 : vector<64x64xf32>
    %tanh3A = math.tanh %mul3A_27 : vector<64x64xf32>
    %add3A_28 = arith.constant 1.000000e+00 : f32
    %add3A_29 = vector.broadcast %add3A_28 : f32 to vector<64x64xf32>
    %add3A_30 = arith.addf %add3A_29, %tanh3A : vector<64x64xf32>
    %mul3A_31 = arith.mulf %mul3A_18, %add3A_30 : vector<64x64xf32>
    %transpose3A = tpu.transpose %mul3A_31, [1, 0] : vector<64x64xf32> -> vector<64x64xf32>
    %get3A_32 = arith.constant 0 : index
    %get3A_33 = arith.constant 0 : index
    %get3A_34 = vector.load %arg6[%get3A_32, %get3A_33] : memref<1024x64xf32, #tpu.memory_space<vmem>>, vector<1024x64xf32>
    %dot_general3A_35 = arith.constant dense<0.000000e+00> : vector<64x1024xf32>
    %dot_general3A_36 = tpu.matmul %transpose3A, %get3A_34, %dot_general3A_35 {dimension_numbers = #tpu.dot_dimension_numbers<[1], [1], [0], [0], [0, 0, 1, 0], [], []>, transpose_lhs_hint = false} : vector<64x64xf32>, vector<1024x64xf32>, vector<64x1024xf32> -> vector<64x1024xf32>
    %get3A_37 = arith.constant 0 : index
    %get3A_38 = vector.load %arg7[%get3A_37] : memref<1024xf32, #tpu.memory_space<vmem>>, vector<1024xf32>
    %broadcast_in_dim3A = vector.shape_cast %get3A_38 : vector<1024xf32> to vector<1x1024xf32>
    %add3A_39 = vector.broadcast %broadcast_in_dim3A : vector<1x1024xf32> to vector<64x1024xf32>
    %add3A_40 = arith.addf %dot_general3A_36, %add3A_39 : vector<64x1024xf32>
    %swap3A = arith.constant 0 : index
    %swap3A_41 = arith.constant 0 : index
    %swap3A_42 = vector.load %arg8[%swap3A, %swap3A_41] : memref<64x1024xf32, #tpu.memory_space<vmem>>, vector<64x1024xf32>
    tpu.vector_store %arg8[%swap3A, %swap3A_41], %add3A_40 {strides = array<i32>} : memref<64x1024xf32, #tpu.memory_space<vmem>>, vector<64x1024xf32>,
    return
  }
  func.func @transform_0(%arg0: i32, %arg1: memref<128xi32, #tpu.memory_space<smem>>, %arg2: memref<128xi32, #tpu.memory_space<smem>>) -> (i32, i32) {
    %c0_i32 = arith.constant 0 : i32
    %c0_i32_0 = arith.constant 0 : i32
    return %arg0, %c0_i32 : i32, i32
  }
  func.func @transform_1(%arg0: i32, %arg1: memref<128xi32, #tpu.memory_space<smem>>, %arg2: memref<128xi32, #tpu.memory_space<smem>>) -> (i32, i32, i32) {
    %c0_i32 = arith.constant 0 : i32
    %c0_i32_0 = arith.constant 0 : i32
    %c0_i32_1 = arith.constant 0 : i32
    %c0_i32_2 = arith.constant 0 : i32
    return %c0_i32, %c0_i32_0, %c0_i32_1 : i32, i32, i32
  }
  func.func @transform_2(%arg0: i32, %arg1: memref<128xi32, #tpu.memory_space<smem>>, %arg2: memref<128xi32, #tpu.memory_space<smem>>) -> (i32, i32, i32) {
    %c0_i32 = arith.constant 0 : i32
    %c0_i32_0 = arith.constant 0 : i32
    %c0_i32_1 = arith.constant 0 : i32
    %c0_i32_2 = arith.constant 0 : i32
    return %c0_i32, %c0_i32_0, %c0_i32_1 : i32, i32, i32
  }
  func.func @transform_3(%arg0: i32, %arg1: memref<128xi32, #tpu.memory_space<smem>>, %arg2: memref<128xi32, #tpu.memory_space<smem>>) -> (i32, i32) {
    %c0_i32 = arith.constant 0 : i32
    %c0_i32_0 = arith.constant 0 : i32
    %c0_i32_1 = arith.constant 0 : i32
    return %c0_i32, %c0_i32_0 : i32, i32
  }
  func.func @transform_4(%arg0: i32, %arg1: memref<128xi32, #tpu.memory_space<smem>>, %arg2: memref<128xi32, #tpu.memory_space<smem>>) -> i32 {
    %c0_i32 = arith.constant 0 : i32
    %c0_i32_0 = arith.constant 0 : i32
    return %c0_i32 : i32
  }
  func.func @transform_5(%arg0: i32, %arg1: memref<128xi32, #tpu.memory_space<smem>>, %arg2: memref<128xi32, #tpu.memory_space<smem>>) -> (i32, i32) {
    %c0_i32 = arith.constant 0 : i32
    %c0_i32_0 = arith.constant 0 : i32
    return %arg0, %c0_i32 : i32, i32
  }
}

</mosaic_0001>

<sc_bundles>
// kernel: kernel.6.cloned.1.call-start
scs
__scs_entry_jumppad:
0x0: {  	(pc) =	sbr.rel $0x88, $3  }
0x1: {  	(tag) =	ssettag $0x0;
	lr =	simm.s32 $0x1  }
0x2: {  	[smem:$0x3F9B] =	sst lr;
	_ =	strace $0xD0000000  }
0x3: {  	_ = 	snop  }
0x4: {  	_ = 	snop  }
0x5: {  	_ = 	snop  }
0x6: {  	_ = 	snop  }
0x7: {  	_ = 	snop  }
__scs_overlays_trampoline_lowered:
0x8: {  	[smem:$0x3FAA] =	sst s0  }
0x9: {  	[smem:$0x3FAB] =	sst s1  }
0xa: {  	[smem:$0x3FAC] =	sst s2  }
0xb: {  	[smem:$0x3FAD] =	sst s3  }
0xc: {  	[smem:$0x3FAE] =	sst s4  }
0xd: {  	[smem:$0x3FAF] =	sst s5  }
0xe: {  	[smem:$0x3FB0] =	sst s6  }
0xf: {  	[smem:$0x3FB1] =	sst s7  }
0x10: {  	[smem:$0x3FB2] =	sst s8  }
0x11: {  	[smem:$0x3FB3] =	sst s9;
	s0 =	simm.s32 @!p0 $0x0  }
0x12: {  	s1 =	sld [smem:$0x3F99];
	s0 =	simm.s32 @p0 $0x1  }
0x13: {  	[smem:$0x3FB4] =	sst s0;
	s0 =	simm.s32 @!p1 $0x0  }
0x14: {  	s2 =	sld [smem:$0x3F98];
	s0 =	simm.s32 @p1 $0x1  }
0x15: {  	[smem:$0x3FB5] =	sst s0;
	s0 =	simm.s32 @!p2 $0x0  }
0x16: {  	s3 =	sld [smem:$0x3FDB];
	s0 =	simm.s32 @p2 $0x1  }
0x17: {  	s4 =	simm.s32 $0x1BF5;
	[smem:$0x3FB7] =	sst s0  }
0x18: {  	s0 =	sld [smem:$0x3F9A];
	_ =	swait.ge [sflag:s4], $0x0  }
0x19: {  	s7 =	sld [smem:$0x3F9B]  }
0x1a: {  	s8 =	sadd.s32 $0xFFFFE003, lr  }
0x1b: {  	s9 =	sadd.s32 $0xFFFFFEF7, lr;
	s5 =	simm.s32 $0xFFFFFFFF;
	p2 =	slt.u32 s8, $0xFFFFF086  }
0x1c: {  	p1 =	slt.u32 s9, $0xF7A;
	s5 =	simm.s32 @!p2 $0x0  }
0x1d: {  	s5 =	simm.s32 @p1 $0x1;
	p0 =	seq.s32 s7, s2  }
0x1e: {  	s7 =	smul.u32 @!p0 $0xF7A, s2;
	p2 =	seq.s32 @!p0 s5, $0x0  }
0x1f: {  	s9 =	smul.u32 $0xF7A, s1;
	s8 =	simm.s32 @!p0 $0x1BF5;
	p2 =	por !p2, p0  }
0x20: {  	[sflag:s8] =	ssyncset.s32 @!p0 $0xFFFFF086;
	s6 =	sadd.s32 @!p0 s3, s7;
	s7 =	simm.s32 @!p0 $0x108  }
0x21: {  	s3 =	sadd.s32 s3, s9;
	s6 =	sadd.s32 @!p0 $0x88, s6;
	s7 =	simm.s32 @p2 $0x1082  }
0x22: {  	[simem:s7], [sflag:s8] =	dma.local @!p0 [hbm:s6], $0xF7A  }
0x23: {  	s9 =	sor.u32 $0xD0000000, s2;
	s6 =	simm.s32 $0x108;
	_ =	swait.ge @!p0 [sflag:s8], $0x0  }
0x24: {  	s3 =	sadd.s32 $0x88, s3;
	s6 =	simm.s32 @!p1 $0x1082;
	[sflag:s4] =	ssyncset.s32 $0xFFFFF086  }
0x25: {  	[simem:s6], [sflag:s4] =	dma.local [hbm:s3], $0xF7A  }
0x26: {  	[smem:$0x3F9B] =	sst s1;
	(tag) =	ssettag s2;
	_ =	strace s9  }
0x27: {  	s1 =	sld [smem:$0x3FAB]  }
0x28: {  	s2 =	sld [smem:$0x3FAC]  }
0x29: {  	s4 =	sld [smem:$0x3FAE]  }
0x2a: {  	p0 =	seq.s32 s5, $0x0;
	s5 =	sld [smem:$0x3FAF]  }
0x2b: {  	s6 =	sld [smem:$0x3FB0]  }
0x2c: {  	s7 =	sld [smem:$0x3FB1]  }
0x2d: {  	s3 =	simm.s32 $0x108;
	s8 =	sld [smem:$0x3FB2]  }
0x2e: {  	s3 =	simm.s32 @!p0 $0x1082;
	s9 =	sld [smem:$0x3FB3]  }
0x2f: {  	lr =	sadd.s32 s0, s3;
	s0 =	sld [smem:$0x3FAA]  }
0x30: {  	s3 =	sld [smem:$0x3FAD]  }
0x31: {  	[smem:$0x3FB6] =	sst s10  }
0x32: {  	s10 =	sld [smem:$0x3FB4];
	_ =	sdelay $0x3  }
0x33: {  	p0 =	seq.s32 s10, $0x1;
	s10 =	sld [smem:$0x3FB6];
	_ =	sdelay $0x3  }
0x34: {  	[smem:$0x3FB6] =	sst s10  }
0x35: {  	s10 =	sld [smem:$0x3FB5];
	_ =	sdelay $0x3  }
0x36: {  	p1 =	seq.s32 s10, $0x1;
	s10 =	sld [smem:$0x3FB6];
	_ =	sdelay $0x3  }
0x37: {  	[smem:$0x3FB6] =	sst s10  }
0x38: {  	s10 =	sld [smem:$0x3FB7]  }
0x39: {  	_ = 	snop;
	(pc) =	sbr.ind lr, $3  }
0x3a: {  	_ = 	snop  }
0x3b: {  	_ = 	snop  }
0x3c: {  	p2 =	seq.s32 s10, $0x1;
	s10 =	sld [smem:$0x3FB6]  }
0x3d: {  	_ =	shalt  }
0x3e: {  	_ =	shalt  }
0x3f: {  	_ =	shalt  }
0x40: {  	_ =	shalt  }
0x41: {  	_ =	shalt  }
0x42: {  	_ =	shalt  }
0x43: {  	_ =	shalt  }
0x44: {  	_ =	shalt  }
0x45: {  	_ =	shalt  }
0x46: {  	_ =	shalt  }
0x47: {  	_ =	shalt  }
0x48: {  	_ =	shalt  }
0x49: {  	_ =	shalt  }
0x4a: {  	_ =	shalt  }
0x4b: {  	_ =	shalt  }
0x4c: {  	_ =	shalt  }
0x4d: {  	_ =	shalt  }
0x4e: {  	_ =	shalt  }
0x4f: {  	_ =	shalt  }
0x50: {  	_ =	shalt  }
0x51: {  	_ =	shalt  }
0x52: {  	_ =	shalt  }
0x53: {  	_ =	shalt  }
0x54: {  	_ =	shalt  }
0x55: {  	_ =	shalt  }
0x56: {  	_ =	shalt  }
0x57: {  	_ =	shalt  }
0x58: {  	_ =	shalt  }
0x59: {  	_ =	shalt  }
0x5a: {  	_ =	shalt  }
0x5b: {  	_ =	shalt  }
0x5c: {  	_ =	shalt  }
0x5d: {  	_ =	shalt  }
0x5e: {  	_ =	shalt  }
0x5f: {  	_ =	shalt  }
0x60: {  	_ =	shalt  }
0x61: {  	_ =	shalt  }
0x62: {  	_ =	shalt  }
0x63: {  	_ =	shalt  }
0x64: {  	_ =	shalt  }
0x65: {  	_ =	shalt  }
0x66: {  	_ =	shalt  }
0x67: {  	_ =	shalt  }
0x68: {  	_ =	shalt  }
0x69: {  	_ =	shalt  }
0x6a: {  	_ =	shalt  }
0x6b: {  	_ =	shalt  }
0x6c: {  	_ =	shalt  }
0x6d: {  	_ =	shalt  }
0x6e: {  	_ =	shalt  }
0x6f: {  	_ =	shalt  }
0x70: {  	_ =	shalt  }
0x71: {  	_ =	shalt  }
0x72: {  	_ =	shalt  }
0x73: {  	_ =	shalt  }
0x74: {  	_ =	shalt  }
0x75: {  	_ =	shalt  }
0x76: {  	_ =	shalt  }
0x77: {  	_ =	shalt  }
0x78: {  	_ =	shalt  }
0x79: {  	_ =	shalt  }
0x7a: {  	_ =	shalt  }
0x7b: {  	_ =	shalt  }
0x7c: {  	_ =	shalt  }
0x7d: {  	_ =	shalt  }
0x7e: {  	_ =	shalt  }
0x7f: {  	_ =	shalt  }
0x80: {  	_ =	shalt  }
0x81: {  	_ =	shalt  }
0x82: {  	_ =	shalt  }
0x83: {  	_ =	shalt  }
0x84: {  	_ =	shalt  }
0x85: {  	_ =	shalt  }
0x86: {  	_ =	shalt  }
0x87: {  	_ =	shalt  }
.Lfunc_end0:
.L_simem_size_0:
called_computation_lowered:
.L_overlay_start_0:
0x88: {  	s2 =	sld [smem:$0x3FD9]  }
0x89: {  	s3 =	sld [smem:$0x3FFE];
	_ =	sdelay $0x1  }
0x8a: {  	s1 =	srdreg.scid  }
0x8b: {  	s0 =	sand.u32 $0x1, s1  }
0x8c: {  	s17 =	sshll.u32 s0, $0xA;
	s2 =	sadd.s32 s3, s2  }
0x8d: {  	s2 =	sadd.s32 s2, s17  }
0x8e: {  	[smem:$0x3FC2] =	sst s2  }
0x8f: {  	_ = 	snop  }
0x90: {  	s2 =	sld [smem:$0x3FC9];
	(tm) =	ssettm $0x1  }
0x91: {  	s18 =	sld [smem:$0x3FFB];
	_ =	sdelay $0x3  }
0x92: {  	_ =	strace s18  }
0x93: {  	s3 =	sld [smem:$0x3FFC];
	_ =	sdelay $0x3  }
0x94: {  	_ =	strace s3  }
0x95: {  	s3 =	sld [smem:$0x3FFD];
	_ =	sdelay $0x3  }
0x96: {  	_ =	strace s3  }
0x97: {  	_ =	strace $0x8FFFFFFF  }
0x98: {  	s19 =	sld [smem:$0x3FDB];
	_ =	sdelay $0x1  }
0x99: {  	s4 =	simm.s32 $_scs_section_size  }
0x9a: {  	s5 =	simm.s32 $_size__tile_overlayer_lowered;
	s6 =	simm.s32 $_tile_overlayer_lowered  }
0x9b: {  	s22 =	simm.s32 $0x1BFF;
	s21 =	sshll.u32 s6, $0x1;
	s3 =	sadd.s32 s4, s19  }
0x9c: {  	s7 =	simm.s32 $0x0;
	s20 =	sshll.u32 s5, $0x1;
	s5 =	sadd.s32 s21, s3  }
0x9d: {  	[timem:s7], [sflag:s22] =	dma.local [hbm:s5], s20  }
0x9e: {  	_ =	swait.ge [sflag:s22], s20  }
0x9f: {  	s4 =	ssub.s32 $0x0, s20;
	[sflag:s22] =	ssyncset.done $0x0  }
0xa0: {  	[sflag:s22] =	ssyncadd.s32 s4;
	_ =	sdelay $0x1  }
0xa1: {  	s23 =	simm.s32 $0x1B8B  }
0xa2: {  	_ =	swait.ge [sflag:s23], $0x1  }
0xa3: {  	[sflag:s23] =	ssyncset.done $0x0  }
0xa4: {  	s25 =	simm.s32 $0x1B8E;
	s24 =	sld [smem:$0x3FFE];
	[sflag:s23] =	ssyncadd.s32 $0xFFFFFFFF  }
0xa5: {  	s26 =	simm.s32 $execute0_lowered;
	[smem:$0x3FD2] =	sst s25  }
0xa6: {  	s5 =	sshll.u32 s26, $0x1;
	_ =	strace $0x80000046;
	[dreg:$0x1] =	wrdreg $0xFFFFFFFF  }
0xa7: {  	s28 =	simm.s32 $_size_execute0_lowered;
	s3 =	sadd.s32 s3, s5;
	[dreg:$0x0] =	wrdreg $0x0  }
0xa8: {  	s5 =	sshll.u32 s28, $0x1;
	[dreg:$0x2] =	wrdreg s3  }
0xa9: {  	[dreg:$0x3] =	wrdreg s5  }
0xaa: {  	[dreg:$0x4] =	wrdreg $0xC0  }
0xab: {  	_ =	task [dreg:s7], $0x5FFFF  }
0xac: {  	[dreg:$0x1] =	wrdreg $0xFFFFFFFF  }
0xad: {  	[dreg:$0x0] =	wrdreg $0x60  }
0xae: {  	[dreg:$0x2] =	wrdreg s2  }
0xaf: {  	[dreg:$0x3] =	wrdreg s24  }
0xb0: {  	[dreg:$0x4] =	wrdreg $0x9  }
0xb1: {  	_ =	task.clear_ibuf [dreg:s7], $0x5FFFF;
	_ =	strace $0x90000046  }
0xb2: {  	s29 =	simm.s32 $0x9;
	_ =	strace $0x80000048  }
0xb3: {  	_ =	swait.ge [sflag:s29], $0x1  }
0xb4: {  	[sflag:s29] =	ssyncadd.s32 $0xFFFFFFFF  }
0xb5: {  	_ =	strace $0x90000048  }
0xb6: {  	_ =	sfence  }
0xb7: {  	s30 =	sld [smem:$0x0];
	_ =	sdelay $0x2  }
0xb8: {  	s31 =	sshll.u32 s1, $0xD;
	s1 =	sshrl.u32 s1, $0x2  }
0xb9: {  	s3 =	sand.u32 $0x4000, s31;
	s1 =	sadd.s32 s1, s30  }
0xba: {  	s0 =	sor.u32 s3, s0;
	s1 =	sshll.u32 s1, $0x11  }
0xbb: {  	s0 =	sor.u32 s1, s0  }
0xbc: {  	s0 =	sadd.s32 $0x8F2B, s0  }
0xbd: {  	[sflag:s0] =	ssyncadd.remote.s32 $0x1  }
0xbe: {  	_ =	sfence.sel $0xFFFF  }
0xbf: {  	[dreg:$0x0] =	wrdreg $0xFFFFFFFF;
	(pc) =	sbr.abs _section_cstart, $3  }
0xc0: {  	[dreg:$0x1] =	wrdreg $0xFFFFFFFF  }
0xc1: {  	_ =	task.clear_ibuf [dreg:s7], $0x2FFFF;
	_ =	strace $0x9FFFFFFF  }
0xc2: {  	(tm) =	ssettm $0x7FFFFFFF  }
0xc3: {  	_ =	shalt  }
tec
execute0_lowered:
.L_overlay_start_1:
0x0: {  	(tag) =	ssettag $0x1  }
0x1: {  	s1 =	srdreg.scid;
	s3 =	rddreg [dreg:$0x0]  }
0x2: {  	s0 =	stileid.u32;
	s6 =	rddreg [dreg:$0x1];
	s18 =	simm.s32 $0x880  }
0x3: {  	s19 =	simm.s32 $0x1080;
	s20 =	simm.s32 $0x1880;
	s22 =	simm.s32 $0x2080  }
0x4: {  	s23 =	simm.s32 $0x2880;
	s7 =	simm.s32 $0x3080;
	s24 =	simm.s32 $0x3880  }
0x5: {  	s8 =	simm.s32 $0x4080;
	s25 =	simm.s32 $0x4880;
	s26 =	simm.s32 $0x5080  }
0x6: {  	s9 =	simm.s32 $0x80;
	s1 =	sand.u32 $0x1, s1;
	s2 =	sshll.u32 s0, $0x1  }
0x7: {  	s11 =	simm.s32 $0x6080;
	s4 =	sor.u32 s1, s2;
	s2 =	simm.s32 $0x0  }
0x8: {  	s12 =	simm.s32 $0x6880;
	s13 =	simm.s32 $0x7080;
	[smem:$0x7FF] =	sst s2  }
0x9: {  	s14 =	simm.s32 $0x7880;
	_ =	strace $0x80000047;
	[dreg:$0x5] =	wrdreg s18  }
0xa: {  	s15 =	simm.s32 $0x8080;
	s16 =	simm.s32 $0x8880;
	[dreg:$0x6] =	wrdreg s19  }
0xb: {  	s17 =	simm.s32 $0x9080;
	s28 =	simm.s32 $0xE080;
	[dreg:$0x7] =	wrdreg s20  }
0xc: {  	s29 =	simm.s32 $0xE880;
	s30 =	simm.s32 $0xF080;
	[dreg:$0x8] =	wrdreg s22  }
0xd: {  	s31 =	simm.s32 $0xF880;
	s1 =	ssub.s32 $0x2, s1;
	[dreg:$0x9] =	wrdreg s23  }
0xe: {  	s5 =	sshll.u32 s4, $0x4;
	s4 =	sshll.u32 s4, $0xD;
	[dreg:$0xa] =	wrdreg s7  }
0xf: {  	s21 =	sshrl.u32 s1, $0x1;
	s5 =	sadd.s32 s5, s6;
	[dreg:$0xb] =	wrdreg s24  }
0x10: {  	s3 =	sadd.s32 s3, s4;
	s1 =	ssub.s32 s1, s21;
	[dreg:$0xc] =	wrdreg s8  }
0x11: {  	s4 =	sadd.s32 $0x2500, s6;
	s8 =	simm.s32 $0x2;
	[dreg:$0xd] =	wrdreg s25  }
0x12: {  	[dreg:$0xe] =	wrdreg s26;
	s18 =	simm.s32 $0x9880;
	s19 =	simm.s32 $0xA080  }
0x13: {  	s20 =	simm.s32 $0xA880;
	s21 =	simm.s32 $0xB080;
	s22 =	simm.s32 $0xB880  }
0x14: {  	s23 =	simm.s32 $0xC080;
	s24 =	simm.s32 $0xC880;
	s25 =	simm.s32 $0xD080  }
0x15: {  	v2 =	vlaneseq.u32;
	s26 =	simm.s32 $0xD880;
	s5 =	sadd.s32 $0x2200, s5;
	[dreg:$0x4] =	wrdreg s3  }
0x16: {  	vm0 =	vmmov $0xffff;
	v1 =	vshrl.u32 v2, $0x3;
	s3 =	sadd.s32 $0x2400, s6;
	s7 =	smax.u32 s1, $0x1;
	s1 =	simm.s32 $0x1  }
0x17: {  	v0 =	vand.u32 $0x7, v2;
	v2 =	vor.u32 $0x8, v2;
	v1 =	vmul.u32 $0x8, v1;
	[dreg:$0x3] =	wrdreg s5;
	s5 =	sadd.s32 $0x2600, s6;
	s6 =	sadd.s32 $0x2700, s6  }
.LBB2_1:
0x18: {  	s0 =	rddreg [dreg:$0x3]  }
0x19: {  	[tilespmem:s2], [sflag:$0x2] =	stream.linear.gather [hbm4b:s0+s2], $0x80, $0x38;
	[tilespmem:$0x10080] =	vst v63  }
0x1a: {  	_ =	swait.ge [sflag:s8], $0x80  }
0x1b: {  	[sflag:s8] =	ssyncset.done $0x0  }
0x1c: {  	s10 =	rddreg [dreg:$0x4];
	[sflag:s8] =	ssyncadd.s32 $0xFFFFFF80  }
0x1d: {  	[tilespmem:s9], [sflag:$0x2] =	stream.linear.gather [hbm4b:s10+s2], $0x10000, $0x38;
	[tilespmem:$0x10080] =	vst v63  }
0x1e: {  	_ =	swait.ge [sflag:s8], $0x10000  }
0x1f: {  	[sflag:s8] =	ssyncset.done $0x0  }
0x20: {  	[sflag:s8] =	ssyncadd.s32 $0xFFFF0000  }
0x21: {  	v3 =	vld [tilespmem:$0x0];
	_ =	sdelay $0x4  }
0x22: {  	v4 =	vshll.u32 v3, $0x3  }
0x23: {  	v3 =	vand.u32 $0x7, v3;
	v4 =	vand.u32 $0xFFFFFFC0, v4  }
0x24: {  	v3 =	vor.u32 v3, v4  }
0x25: {  	v4 =	vperm.xlane v3, v0;
	_ =	sdelay $0x1  }
0x26: {  	v4 =	vadd.s32 v1, v4;
	_ =	sdelay $0x4  }
0x27: {  	[hbm4b:s3+s2] =	stream.indirect_vreg.scatter [tilespmem:s9], [sflag:$0x1], $0x80, v4, vm0, $0xb8;
	[tilespmem:$0x10080] =	vst v63  }
0x28: {  	s0 =	rddreg [dreg:$0x5];
	v3 =	vperm.xlane v3, v2  }
0x29: {  	[hbm4b:s4+s2] =	stream.indirect_vreg.scatter [tilespmem:s0], [sflag:$0x1], $0x80, v4, vm0, $0xb8;
	[tilespmem:$0x10080] =	vst v63  }
0x2a: {  	s10 =	rddreg [dreg:$0x6];
	v3 =	vadd.s32 v1, v3  }
0x2b: {  	[hbm4b:s5+s2] =	stream.indirect_vreg.scatter [tilespmem:s10], [sflag:$0x1], $0x80, v4, vm0, $0xb8;
	[tilespmem:$0x10080] =	vst v63  }
0x2c: {  	s0 =	rddreg [dreg:$0x7]  }
0x2d: {  	[hbm4b:s6+s2] =	stream.indirect_vreg.scatter [tilespmem:s0], [sflag:$0x1], $0x80, v4, vm0, $0xb8;
	[tilespmem:$0x10080] =	vst v63  }
0x2e: {  	s10 =	rddreg [dreg:$0x8]  }
0x2f: {  	[hbm4b:s3+s2] =	stream.indirect_vreg.scatter [tilespmem:s10], [sflag:$0x1], $0x80, v3, vm0, $0xb8;
	[tilespmem:$0x10080] =	vst v63  }
0x30: {  	s0 =	rddreg [dreg:$0x9]  }
0x31: {  	[hbm4b:s4+s2] =	stream.indirect_vreg.scatter [tilespmem:s0], [sflag:$0x1], $0x80, v3, vm0, $0xb8;
	[tilespmem:$0x10080] =	vst v63  }
0x32: {  	s10 =	rddreg [dreg:$0xa]  }
0x33: {  	[hbm4b:s5+s2] =	stream.indirect_vreg.scatter [tilespmem:s10], [sflag:$0x1], $0x80, v3, vm0, $0xb8;
	[tilespmem:$0x10080] =	vst v63  }
0x34: {  	s0 =	rddreg [dreg:$0xb]  }
0x35: {  	[hbm4b:s6+s2] =	stream.indirect_vreg.scatter [tilespmem:s0], [sflag:$0x1], $0x80, v3, vm0, $0xb8;
	[tilespmem:$0x10080] =	vst v63  }
0x36: {  	v3 =	vld [tilespmem:$0x10];
	_ =	sdelay $0x4  }
0x37: {  	v61 =	vshll.u32 v3, $0x3  }
0x38: {  	v3 =	vand.u32 $0x7, v3;
	v4 =	vand.u32 $0xFFFFFFC0, v61  }
0x39: {  	v3 =	vor.u32 v3, v4  }
0x3a: {  	v4 =	vperm.xlane v3, v0;
	_ =	sdelay $0x1  }
0x3b: {  	v4 =	vadd.s32 v1, v4;
	_ =	sdelay $0x3  }
0x3c: {  	s0 =	rddreg [dreg:$0xc]  }
0x3d: {  	[hbm4b:s3+s2] =	stream.indirect_vreg.scatter [tilespmem:s0], [sflag:$0x1], $0x80, v4, vm0, $0xb8;
	[tilespmem:$0x10080] =	vst v63  }
0x3e: {  	s10 =	rddreg [dreg:$0xd];
	v3 =	vperm.xlane v3, v2  }
0x3f: {  	[hbm4b:s4+s2] =	stream.indirect_vreg.scatter [tilespmem:s10], [sflag:$0x1], $0x80, v4, vm0, $0xb8;
	[tilespmem:$0x10080] =	vst v63  }
0x40: {  	v3 =	vadd.s32 v1, v3;
	s0 =	rddreg [dreg:$0xe]  }
0x41: {  	[hbm4b:s5+s2] =	stream.indirect_vreg.scatter [tilespmem:s0], [sflag:$0x1], $0x80, v4, vm0, $0xb8;
	[tilespmem:$0x10080] =	vst v63  }
0x42: {  	s10 =	simm.s32 $0x5880  }
0x43: {  	[hbm4b:s6+s2] =	stream.indirect_vreg.scatter [tilespmem:s10], [sflag:$0x1], $0x80, v4, vm0, $0xb8;
	[tilespmem:$0x10080] =	vst v63  }
0x44: {  	_ = 	snop  }
0x45: {  	[hbm4b:s3+s2] =	stream.indirect_vreg.scatter [tilespmem:s11], [sflag:$0x1], $0x80, v3, vm0, $0xb8;
	[tilespmem:$0x10080] =	vst v63  }
0x46: {  	_ = 	snop  }
0x47: {  	[hbm4b:s4+s2] =	stream.indirect_vreg.scatter [tilespmem:s12], [sflag:$0x1], $0x80, v3, vm0, $0xb8;
	[tilespmem:$0x10080] =	vst v63  }
0x48: {  	_ = 	snop  }
0x49: {  	[hbm4b:s5+s2] =	stream.indirect_vreg.scatter [tilespmem:s13], [sflag:$0x1], $0x80, v3, vm0, $0xb8;
	[tilespmem:$0x10080] =	vst v63  }
0x4a: {  	_ = 	snop  }
0x4b: {  	[hbm4b:s6+s2] =	stream.indirect_vreg.scatter [tilespmem:s14], [sflag:$0x1], $0x80, v3, vm0, $0xb8;
	[tilespmem:$0x10080] =	vst v63  }
0x4c: {  	v3 =	vld [tilespmem:$0x20];
	_ =	sdelay $0x4  }
0x4d: {  	v62 =	vshll.u32 v3, $0x3  }
0x4e: {  	v3 =	vand.u32 $0x7, v3;
	v4 =	vand.u32 $0xFFFFFFC0, v62  }
0x4f: {  	v3 =	vor.u32 v3, v4  }
0x50: {  	v4 =	vperm.xlane v3, v0;
	_ =	sdelay $0x1  }
0x51: {  	v4 =	vadd.s32 v1, v4;
	_ =	sdelay $0x4  }
0x52: {  	[hbm4b:s3+s2] =	stream.indirect_vreg.scatter [tilespmem:s15], [sflag:$0x1], $0x80, v4, vm0, $0xb8;
	[tilespmem:$0x10080] =	vst v63  }
0x53: {  	v3 =	vperm.xlane v3, v2  }
0x54: {  	[hbm4b:s4+s2] =	stream.indirect_vreg.scatter [tilespmem:s16], [sflag:$0x1], $0x80, v4, vm0, $0xb8;
	[tilespmem:$0x10080] =	vst v63  }
0x55: {  	v3 =	vadd.s32 v1, v3  }
0x56: {  	[hbm4b:s5+s2] =	stream.indirect_vreg.scatter [tilespmem:s17], [sflag:$0x1], $0x80, v4, vm0, $0xb8;
	[tilespmem:$0x10080] =	vst v63  }
0x57: {  	_ = 	snop  }
0x58: {  	[hbm4b:s6+s2] =	stream.indirect_vreg.scatter [tilespmem:s18], [sflag:$0x1], $0x80, v4, vm0, $0xb8;
	[tilespmem:$0x10080] =	vst v63  }
0x59: {  	_ = 	snop  }
0x5a: {  	[hbm4b:s3+s2] =	stream.indirect_vreg.scatter [tilespmem:s19], [sflag:$0x1], $0x80, v3, vm0, $0xb8;
	[tilespmem:$0x10080] =	vst v63  }
0x5b: {  	_ = 	snop  }
0x5c: {  	[hbm4b:s4+s2] =	stream.indirect_vreg.scatter [tilespmem:s20], [sflag:$0x1], $0x80, v3, vm0, $0xb8;
	[tilespmem:$0x10080] =	vst v63  }
0x5d: {  	_ = 	snop  }
0x5e: {  	[hbm4b:s5+s2] =	stream.indirect_vreg.scatter [tilespmem:s21], [sflag:$0x1], $0x80, v3, vm0, $0xb8;
	[tilespmem:$0x10080] =	vst v63  }
0x5f: {  	_ = 	snop  }
0x60: {  	[hbm4b:s6+s2] =	stream.indirect_vreg.scatter [tilespmem:s22], [sflag:$0x1], $0x80, v3, vm0, $0xb8;
	[tilespmem:$0x10080] =	vst v63  }
0x61: {  	v3 =	vld [tilespmem:$0x30];
	_ =	sdelay $0x4  }
0x62: {  	v63 =	vshll.u32 v3, $0x3  }
0x63: {  	v3 =	vand.u32 $0x7, v3;
	v4 =	vand.u32 $0xFFFFFFC0, v63  }
0x64: {  	v3 =	vor.u32 v3, v4  }
0x65: {  	v4 =	vperm.xlane v3, v0;
	_ =	sdelay $0x1  }
0x66: {  	v4 =	vadd.s32 v1, v4;
	_ =	sdelay $0x4  }
0x67: {  	[hbm4b:s3+s2] =	stream.indirect_vreg.scatter [tilespmem:s23], [sflag:$0x1], $0x80, v4, vm0, $0xb8;
	[tilespmem:$0x10080] =	vst v63  }
0x68: {  	v3 =	vperm.xlane v3, v2  }
0x69: {  	[hbm4b:s4+s2] =	stream.indirect_vreg.scatter [tilespmem:s24], [sflag:$0x1], $0x80, v4, vm0, $0xb8;
	[tilespmem:$0x10080] =	vst v63  }
0x6a: {  	v3 =	vadd.s32 v1, v3  }
0x6b: {  	[hbm4b:s5+s2] =	stream.indirect_vreg.scatter [tilespmem:s25], [sflag:$0x1], $0x80, v4, vm0, $0xb8;
	[tilespmem:$0x10080] =	vst v63  }
0x6c: {  	_ = 	snop  }
0x6d: {  	[hbm4b:s6+s2] =	stream.indirect_vreg.scatter [tilespmem:s26], [sflag:$0x1], $0x80, v4, vm0, $0xb8;
	[tilespmem:$0x10080] =	vst v63  }
0x6e: {  	_ = 	snop  }
0x6f: {  	[hbm4b:s3+s2] =	stream.indirect_vreg.scatter [tilespmem:s28], [sflag:$0x1], $0x80, v3, vm0, $0xb8;
	[tilespmem:$0x10080] =	vst v63  }
0x70: {  	_ = 	snop  }
0x71: {  	[hbm4b:s4+s2] =	stream.indirect_vreg.scatter [tilespmem:s29], [sflag:$0x1], $0x80, v3, vm0, $0xb8;
	[tilespmem:$0x10080] =	vst v63  }
0x72: {  	p0 =	sne.s32 s7, $0x1  }
0x73: {  	[hbm4b:s5+s2] =	stream.indirect_vreg.scatter [tilespmem:s30], [sflag:$0x1], $0x80, v3, vm0, $0xb8;
	[tilespmem:$0x10080] =	vst v63  }
.Ltmp0:
0x74: {  	_ = 	snop;
	(pc) =	sbr.rel @p0 .LBB2_1-.Ltmp0, $4  }
0x75: {  	[hbm4b:s6+s2] =	stream.indirect_vreg.scatter [tilespmem:s31], [sflag:$0x1], $0x80, v3, vm0, $0xb8;
	[tilespmem:$0x10080] =	vst v63  }
0x76: {  	_ =	swait.ge [sflag:s1], $0x10000  }
0x77: {  	[sflag:s1] =	ssyncset.done $0x0  }
0x78: {  	s7 =	sadd.s32 $0xFFFFFFFF, s7;
	[sflag:s1] =	ssyncadd.s32 $0xFFFF0000  }
0x79: {  	_ =	sfence.sel $0x180000  }
0x7a: {  	[bflag:$0x0] =	sbarrier.arrive $0xFFFF  }
0x7b: {  	_ =	strace $0x90000047  }
0x7c: {  	s0 =	stileid.u32;
	[bflag:$0x2] =	sbarrier.arrive $0xFFFF  }
0x7d: {  	p0 =	sne.s32 s0, $0x0;
	s0 =	rddreg [dreg:$0x2]  }
0x7e: {  	s0 =	sadd.s32 @!p0 $0x100000, s0  }
0x7f: {  	[sflag:s0] =	ssyncadd.tile.s32 @!p0 $0x1;
	_ =	shalt  }
.Lfunc_end2:
_tile_overlayer_lowered:
.L_overlay_start_2:
0x80: {  	(tag) =	ssettag $0x2  }
0x81: {  	s0 =	rddreg [dreg:$0x0];
	s2 =	stileid.u32  }
0x82: {  	s1 =	rddreg [dreg:$0x1];
	p0 =	sne.s32 s2, $0x0  }
0x83: {  	s3 =	rddreg [dreg:$0x2];
	[bflag:$0x3] =	sbarrier.arrive $0xFFFF;
	s2 =	simm.s32 @!p0 $0x1C02  }
0x84: {  	[timem:s3], [sflag:s2] =	dma.local @!p0 [hbm:s0], s1  }
0x85: {  	s0 =	simm.s32 @!p0 $0x2  }
0x86: {  	_ =	swait.ge @!p0 [sflag:s0], s1  }
0x87: {  	s1 =	ssub.s32 @!p0 $0x0, s1;
	[sflag:s0] =	ssyncset.done @!p0 $0x0  }
0x88: {  	[sflag:s0] =	ssyncadd.s32 @!p0 s1  }
0x89: {  	[bflag:$0x3] =	sbarrier.arrive $0xFFFF  }
0x8a: {  	_ =	shalt  }

// kernel: kernel.9.cloned.1.call-start
scs
__scs_entry_jumppad:
0x0: {  	(pc) =	sbr.rel $0x88, $3  }
0x1: {  	(tag) =	ssettag $0x0;
	lr =	simm.s32 $0x1  }
0x2: {  	[smem:$0x3F9B] =	sst lr;
	_ =	strace $0xD0000000  }
0x3: {  	_ = 	snop  }
0x4: {  	_ = 	snop  }
0x5: {  	_ = 	snop  }
0x6: {  	_ = 	snop  }
0x7: {  	_ = 	snop  }
__scs_overlays_trampoline_lowered:
0x8: {  	[smem:$0x3FAA] =	sst s0  }
0x9: {  	[smem:$0x3FAB] =	sst s1  }
0xa: {  	[smem:$0x3FAC] =	sst s2  }
0xb: {  	[smem:$0x3FAD] =	sst s3  }
0xc: {  	[smem:$0x3FAE] =	sst s4  }
0xd: {  	[smem:$0x3FAF] =	sst s5  }
0xe: {  	[smem:$0x3FB0] =	sst s6  }
0xf: {  	[smem:$0x3FB1] =	sst s7  }
0x10: {  	[smem:$0x3FB2] =	sst s8  }
0x11: {  	[smem:$0x3FB3] =	sst s9;
	s0 =	simm.s32 @!p0 $0x0  }
0x12: {  	s1 =	sld [smem:$0x3F99];
	s0 =	simm.s32 @p0 $0x1  }
0x13: {  	[smem:$0x3FB4] =	sst s0;
	s0 =	simm.s32 @!p1 $0x0  }
0x14: {  	s2 =	sld [smem:$0x3F98];
	s0 =	simm.s32 @p1 $0x1  }
0x15: {  	[smem:$0x3FB5] =	sst s0;
	s0 =	simm.s32 @!p2 $0x0  }
0x16: {  	s3 =	sld [smem:$0x3FDB];
	s0 =	simm.s32 @p2 $0x1  }
0x17: {  	s4 =	simm.s32 $0x1BF5;
	[smem:$0x3FB7] =	sst s0  }
0x18: {  	s0 =	sld [smem:$0x3F9A];
	_ =	swait.ge [sflag:s4], $0x0  }
0x19: {  	s7 =	sld [smem:$0x3F9B]  }
0x1a: {  	s8 =	sadd.s32 $0xFFFFE003, lr  }
0x1b: {  	s9 =	sadd.s32 $0xFFFFFEF7, lr;
	s5 =	simm.s32 $0xFFFFFFFF;
	p2 =	slt.u32 s8, $0xFFFFF086  }
0x1c: {  	p1 =	slt.u32 s9, $0xF7A;
	s5 =	simm.s32 @!p2 $0x0  }
0x1d: {  	s5 =	simm.s32 @p1 $0x1;
	p0 =	seq.s32 s7, s2  }
0x1e: {  	s7 =	smul.u32 @!p0 $0xF7A, s2;
	p2 =	seq.s32 @!p0 s5, $0x0  }
0x1f: {  	s9 =	smul.u32 $0xF7A, s1;
	s8 =	simm.s32 @!p0 $0x1BF5;
	p2 =	por !p2, p0  }
0x20: {  	[sflag:s8] =	ssyncset.s32 @!p0 $0xFFFFF086;
	s6 =	sadd.s32 @!p0 s3, s7;
	s7 =	simm.s32 @!p0 $0x108  }
0x21: {  	s3 =	sadd.s32 s3, s9;
	s6 =	sadd.s32 @!p0 $0x88, s6;
	s7 =	simm.s32 @p2 $0x1082  }
0x22: {  	[simem:s7], [sflag:s8] =	dma.local @!p0 [hbm:s6], $0xF7A  }
0x23: {  	s9 =	sor.u32 $0xD0000000, s2;
	s6 =	simm.s32 $0x108;
	_ =	swait.ge @!p0 [sflag:s8], $0x0  }
0x24: {  	s3 =	sadd.s32 $0x88, s3;
	s6 =	simm.s32 @!p1 $0x1082;
	[sflag:s4] =	ssyncset.s32 $0xFFFFF086  }
0x25: {  	[simem:s6], [sflag:s4] =	dma.local [hbm:s3], $0xF7A  }
0x26: {  	[smem:$0x3F9B] =	sst s1;
	(tag) =	ssettag s2;
	_ =	strace s9  }
0x27: {  	s1 =	sld [smem:$0x3FAB]  }
0x28: {  	s2 =	sld [smem:$0x3FAC]  }
0x29: {  	s4 =	sld [smem:$0x3FAE]  }
0x2a: {  	p0 =	seq.s32 s5, $0x0;
	s5 =	sld [smem:$0x3FAF]  }
0x2b: {  	s6 =	sld [smem:$0x3FB0]  }
0x2c: {  	s7 =	sld [smem:$0x3FB1]  }
0x2d: {  	s3 =	simm.s32 $0x108;
	s8 =	sld [smem:$0x3FB2]  }
0x2e: {  	s3 =	simm.s32 @!p0 $0x1082;
	s9 =	sld [smem:$0x3FB3]  }
0x2f: {  	lr =	sadd.s32 s0, s3;
	s0 =	sld [smem:$0x3FAA]  }
0x30: {  	s3 =	sld [smem:$0x3FAD]  }
0x31: {  	[smem:$0x3FB6] =	sst s10  }
0x32: {  	s10 =	sld [smem:$0x3FB4];
	_ =	sdelay $0x3  }
0x33: {  	p0 =	seq.s32 s10, $0x1;
	s10 =	sld [smem:$0x3FB6];
	_ =	sdelay $0x3  }
0x34: {  	[smem:$0x3FB6] =	sst s10  }
0x35: {  	s10 =	sld [smem:$0x3FB5];
	_ =	sdelay $0x3  }
0x36: {  	p1 =	seq.s32 s10, $0x1;
	s10 =	sld [smem:$0x3FB6];
	_ =	sdelay $0x3  }
0x37: {  	[smem:$0x3FB6] =	sst s10  }
0x38: {  	s10 =	sld [smem:$0x3FB7]  }
0x39: {  	_ = 	snop;
	(pc) =	sbr.ind lr, $3  }
0x3a: {  	_ = 	snop  }
0x3b: {  	_ = 	snop  }
0x3c: {  	p2 =	seq.s32 s10, $0x1;
	s10 =	sld [smem:$0x3FB6]  }
0x3d: {  	_ =	shalt  }
0x3e: {  	_ =	shalt  }
0x3f: {  	_ =	shalt  }
0x40: {  	_ =	shalt  }
0x41: {  	_ =	shalt  }
0x42: {  	_ =	shalt  }
0x43: {  	_ =	shalt  }
0x44: {  	_ =	shalt  }
0x45: {  	_ =	shalt  }
0x46: {  	_ =	shalt  }
0x47: {  	_ =	shalt  }
0x48: {  	_ =	shalt  }
0x49: {  	_ =	shalt  }
0x4a: {  	_ =	shalt  }
0x4b: {  	_ =	shalt  }
0x4c: {  	_ =	shalt  }
0x4d: {  	_ =	shalt  }
0x4e: {  	_ =	shalt  }
0x4f: {  	_ =	shalt  }
0x50: {  	_ =	shalt  }
0x51: {  	_ =	shalt  }
0x52: {  	_ =	shalt  }
0x53: {  	_ =	shalt  }
0x54: {  	_ =	shalt  }
0x55: {  	_ =	shalt  }
0x56: {  	_ =	shalt  }
0x57: {  	_ =	shalt  }
0x58: {  	_ =	shalt  }
0x59: {  	_ =	shalt  }
0x5a: {  	_ =	shalt  }
0x5b: {  	_ =	shalt  }
0x5c: {  	_ =	shalt  }
0x5d: {  	_ =	shalt  }
0x5e: {  	_ =	shalt  }
0x5f: {  	_ =	shalt  }
0x60: {  	_ =	shalt  }
0x61: {  	_ =	shalt  }
0x62: {  	_ =	shalt  }
0x63: {  	_ =	shalt  }
0x64: {  	_ =	shalt  }
0x65: {  	_ =	shalt  }
0x66: {  	_ =	shalt  }
0x67: {  	_ =	shalt  }
0x68: {  	_ =	shalt  }
0x69: {  	_ =	shalt  }
0x6a: {  	_ =	shalt  }
0x6b: {  	_ =	shalt  }
0x6c: {  	_ =	shalt  }
0x6d: {  	_ =	shalt  }
0x6e: {  	_ =	shalt  }
0x6f: {  	_ =	shalt  }
0x70: {  	_ =	shalt  }
0x71: {  	_ =	shalt  }
0x72: {  	_ =	shalt  }
0x73: {  	_ =	shalt  }
0x74: {  	_ =	shalt  }
0x75: {  	_ =	shalt  }
0x76: {  	_ =	shalt  }
0x77: {  	_ =	shalt  }
0x78: {  	_ =	shalt  }
0x79: {  	_ =	shalt  }
0x7a: {  	_ =	shalt  }
0x7b: {  	_ =	shalt  }
0x7c: {  	_ =	shalt  }
0x7d: {  	_ =	shalt  }
0x7e: {  	_ =	shalt  }
0x7f: {  	_ =	shalt  }
0x80: {  	_ =	shalt  }
0x81: {  	_ =	shalt  }
0x82: {  	_ =	shalt  }
0x83: {  	_ =	shalt  }
0x84: {  	_ =	shalt  }
0x85: {  	_ =	shalt  }
0x86: {  	_ =	shalt  }
0x87: {  	_ =	shalt  }
.Lfunc_end0:
.L_simem_size_0:
called_computation.1_lowered:
.L_overlay_start_0:
0x88: {  	s2 =	sld [smem:$0x3FD9]  }
0x89: {  	s3 =	sld [smem:$0x3FFE];
	_ =	sdelay $0x1  }
0x8a: {  	s1 =	srdreg.scid  }
0x8b: {  	s0 =	sand.u32 $0x1, s1  }
0x8c: {  	s14 =	sshll.u32 s0, $0xA;
	s2 =	sadd.s32 s3, s2  }
0x8d: {  	s2 =	sadd.s32 s2, s14  }
0x8e: {  	[smem:$0x3FC2] =	sst s2  }
0x8f: {  	_ = 	snop  }
0x90: {  	s2 =	sld [smem:$0x3FD0];
	_ =	sdelay $0x2  }
0x91: {  	s15 =	simm.s32 $0xA;
	s4 =	simm.s32 $0x10  }
0x92: {  	[smem:s4], [sflag:s15] =	dma.local [hbm:s2], $0x1  }
0x93: {  	_ =	swait.eq [sflag:s15], $0x1  }
0x94: {  	[sflag:s15] =	ssyncset.done $0x0  }
0x95: {  	[sflag:s15] =	ssyncadd.s32 $0xFFFFFFFF  }
0x96: {  	s16 =	sld [smem:$0x10];
	(tm) =	ssettm $0x1  }
0x97: {  	s17 =	sld [smem:$0x3FFB];
	_ =	sdelay $0x3  }
0x98: {  	_ =	strace s17  }
0x99: {  	s3 =	sld [smem:$0x3FFC];
	_ =	sdelay $0x3  }
0x9a: {  	_ =	strace s3  }
0x9b: {  	s3 =	sld [smem:$0x3FFD];
	_ =	sdelay $0x3  }
0x9c: {  	_ =	strace s3  }
0x9d: {  	_ =	strace $0x8FFFFFFF  }
0x9e: {  	s18 =	sld [smem:$0x3FDB];
	_ =	sdelay $0x1  }
0x9f: {  	s19 =	simm.s32 $_scs_section_size  }
0xa0: {  	s5 =	simm.s32 $_size__tile_overlayer_lowered;
	s6 =	simm.s32 $_tile_overlayer_lowered  }
0xa1: {  	s22 =	simm.s32 $0x1BFF;
	s21 =	sshll.u32 s6, $0x1;
	s3 =	sadd.s32 s19, s18  }
0xa2: {  	s7 =	simm.s32 $0x0;
	s20 =	sshll.u32 s5, $0x1;
	s5 =	sadd.s32 s21, s3  }
0xa3: {  	[timem:s7], [sflag:s22] =	dma.local [hbm:s5], s20  }
0xa4: {  	_ =	swait.ge [sflag:s22], s20  }
0xa5: {  	s4 =	ssub.s32 $0x0, s20;
	[sflag:s22] =	ssyncset.done $0x0  }
0xa6: {  	[sflag:s22] =	ssyncadd.s32 s4;
	_ =	sdelay $0x1  }
0xa7: {  	s23 =	simm.s32 $0x1B8B  }
0xa8: {  	_ =	swait.ge [sflag:s23], $0x1  }
0xa9: {  	[sflag:s23] =	ssyncset.done $0x0  }
0xaa: {  	s25 =	simm.s32 $0x1B8E;
	s24 =	sld [smem:$0x3FFE];
	[sflag:s23] =	ssyncadd.s32 $0xFFFFFFFF  }
0xab: {  	s26 =	simm.s32 $execute0_lowered;
	[smem:$0x3FD2] =	sst s25  }
0xac: {  	s5 =	sshll.u32 s26, $0x1;
	_ =	strace $0x80000049;
	[dreg:$0x1] =	wrdreg $0xFFFFFFFF  }
0xad: {  	s28 =	simm.s32 $_size_execute0_lowered;
	s3 =	sadd.s32 s3, s5;
	[dreg:$0x0] =	wrdreg $0x0  }
0xae: {  	s5 =	sshll.u32 s28, $0x1;
	[dreg:$0x2] =	wrdreg s3  }
0xaf: {  	[dreg:$0x3] =	wrdreg s5  }
0xb0: {  	[dreg:$0x4] =	wrdreg $0xC0  }
0xb1: {  	_ =	task [dreg:s7], $0x5FFFF  }
0xb2: {  	[dreg:$0x1] =	wrdreg $0xFFFFFFFF  }
0xb3: {  	[dreg:$0x0] =	wrdreg $0x60  }
0xb4: {  	[dreg:$0x2] =	wrdreg s24  }
0xb5: {  	[dreg:$0x3] =	wrdreg s16  }
0xb6: {  	[dreg:$0x4] =	wrdreg $0x9  }
0xb7: {  	_ =	task.clear_ibuf [dreg:s7], $0x5FFFF;
	_ =	strace $0x90000049  }
0xb8: {  	s29 =	simm.s32 $0x9;
	_ =	strace $0x8000004B  }
0xb9: {  	_ =	swait.ge [sflag:s29], $0x1  }
0xba: {  	[sflag:s29] =	ssyncadd.s32 $0xFFFFFFFF  }
0xbb: {  	_ =	strace $0x9000004B  }
0xbc: {  	_ =	sfence  }
0xbd: {  	s30 =	sld [smem:$0x0];
	_ =	sdelay $0x2  }
0xbe: {  	s31 =	sshll.u32 s1, $0xD;
	s1 =	sshrl.u32 s1, $0x2  }
0xbf: {  	s3 =	sand.u32 $0x4000, s31;
	s1 =	sadd.s32 s1, s30  }
0xc0: {  	s0 =	sor.u32 s3, s0;
	s1 =	sshll.u32 s1, $0x11  }
0xc1: {  	s0 =	sor.u32 s1, s0  }
0xc2: {  	s0 =	sadd.s32 $0x8F2B, s0  }
0xc3: {  	[sflag:s0] =	ssyncadd.remote.s32 $0x1  }
0xc4: {  	_ =	sfence.sel $0xFFFF  }
0xc5: {  	[dreg:$0x0] =	wrdreg $0xFFFFFFFF;
	(pc) =	sbr.abs _section_cstart, $3  }
0xc6: {  	[dreg:$0x1] =	wrdreg $0xFFFFFFFF  }
0xc7: {  	_ =	task.clear_ibuf [dreg:s7], $0x2FFFF;
	_ =	strace $0x9FFFFFFF  }
0xc8: {  	(tm) =	ssettm $0x7FFFFFFF  }
0xc9: {  	_ =	shalt  }
tec
execute0_lowered:
.L_overlay_start_1:
0x0: {  	(tag) =	ssettag $0x1  }
0x1: {  	s1 =	srdreg.scid;
	s6 =	rddreg [dreg:$0x0]  }
0x2: {  	s0 =	stileid.u32;
	s3 =	rddreg [dreg:$0x1];
	s18 =	simm.s32 $0x880  }
0x3: {  	s19 =	simm.s32 $0x1080;
	s20 =	simm.s32 $0x1880;
	s22 =	simm.s32 $0x2080  }
0x4: {  	s23 =	simm.s32 $0x2880;
	s7 =	simm.s32 $0x3080;
	s24 =	simm.s32 $0x3880  }
0x5: {  	s8 =	simm.s32 $0x4080;
	s25 =	simm.s32 $0x4880;
	s26 =	simm.s32 $0x5080  }
0x6: {  	s9 =	simm.s32 $0x80;
	s1 =	sand.u32 $0x1, s1;
	s2 =	sshll.u32 s0, $0x1  }
0x7: {  	s11 =	simm.s32 $0x6080;
	s4 =	sor.u32 s1, s2;
	s2 =	simm.s32 $0x0  }
0x8: {  	s12 =	simm.s32 $0x6880;
	s13 =	simm.s32 $0x7080;
	[smem:$0x7FF] =	sst s2  }
0x9: {  	s14 =	simm.s32 $0x7880;
	_ =	strace $0x8000004A;
	[dreg:$0x5] =	wrdreg s18  }
0xa: {  	s15 =	simm.s32 $0x8080;
	s16 =	simm.s32 $0x8880;
	[dreg:$0x6] =	wrdreg s19  }
0xb: {  	s17 =	simm.s32 $0x9080;
	s28 =	simm.s32 $0xE080;
	[dreg:$0x7] =	wrdreg s20  }
0xc: {  	s29 =	simm.s32 $0xE880;
	s30 =	simm.s32 $0xF080;
	[dreg:$0x8] =	wrdreg s22  }
0xd: {  	s31 =	simm.s32 $0xF880;
	s1 =	ssub.s32 $0x2, s1;
	[dreg:$0x9] =	wrdreg s23  }
0xe: {  	s5 =	sshll.u32 s4, $0x4;
	s4 =	sshll.u32 s4, $0xD;
	[dreg:$0xa] =	wrdreg s7  }
0xf: {  	s21 =	sshrl.u32 s1, $0x1;
	s5 =	sadd.s32 s5, s6;
	[dreg:$0xb] =	wrdreg s24  }
0x10: {  	s3 =	sadd.s32 s3, s4;
	s1 =	ssub.s32 s1, s21;
	[dreg:$0xc] =	wrdreg s8  }
0x11: {  	s4 =	sadd.s32 $0xC2500, s6;
	s8 =	simm.s32 $0x2;
	[dreg:$0xd] =	wrdreg s25  }
0x12: {  	[dreg:$0xe] =	wrdreg s26;
	s18 =	simm.s32 $0x9880;
	s19 =	simm.s32 $0xA080  }
0x13: {  	s20 =	simm.s32 $0xA880;
	s21 =	simm.s32 $0xB080;
	s22 =	simm.s32 $0xB880  }
0x14: {  	s23 =	simm.s32 $0xC080;
	s24 =	simm.s32 $0xC880;
	s25 =	simm.s32 $0xD080  }
0x15: {  	v2 =	vlaneseq.u32;
	s26 =	simm.s32 $0xD880;
	s5 =	sadd.s32 $0x2200, s5;
	[dreg:$0x4] =	wrdreg s3  }
0x16: {  	vm0 =	vmmov $0xffff;
	v1 =	vshrl.u32 v2, $0x3;
	s3 =	sadd.s32 $0xC2400, s6;
	s7 =	smax.u32 s1, $0x1;
	s1 =	simm.s32 $0x1  }
0x17: {  	v0 =	vand.u32 $0x7, v2;
	v2 =	vor.u32 $0x8, v2;
	v1 =	vmul.u32 $0x8, v1;
	[dreg:$0x3] =	wrdreg s5;
	s5 =	sadd.s32 $0xC2600, s6;
	s6 =	sadd.s32 $0xC2700, s6  }
.LBB2_1:
0x18: {  	s0 =	rddreg [dreg:$0x3]  }
0x19: {  	[tilespmem:s2], [sflag:$0x2] =	stream.linear.gather [hbm4b:s0+s2], $0x80, $0x38;
	[tilespmem:$0x10080] =	vst v63  }
0x1a: {  	_ =	swait.ge [sflag:s8], $0x80  }
0x1b: {  	[sflag:s8] =	ssyncset.done $0x0  }
0x1c: {  	[sflag:s8] =	ssyncadd.s32 $0xFFFFFF80  }
0x1d: {  	v3 =	vld [tilespmem:$0x0];
	_ =	sdelay $0x4  }
0x1e: {  	v4 =	vshll.u32 v3, $0x3  }
0x1f: {  	v3 =	vand.u32 $0x7, v3;
	v4 =	vand.u32 $0xFFFFFFC0, v4  }
0x20: {  	v3 =	vor.u32 v3, v4  }
0x21: {  	v4 =	vperm.xlane v3, v0;
	_ =	sdelay $0x1  }
0x22: {  	v4 =	vadd.s32 v1, v4;
	_ =	sdelay $0x4  }
0x23: {  	[tilespmem:s9], [sflag:$0x1] =	stream.indirect_vreg.gather [hbm4b:s3+s2], $0x80, v4, vm0, $0xb8;
	[tilespmem:$0x10080] =	vst v63  }
0x24: {  	s0 =	rddreg [dreg:$0x5];
	v3 =	vperm.xlane v3, v2  }
0x25: {  	[tilespmem:s0], [sflag:$0x1] =	stream.indirect_vreg.gather [hbm4b:s4+s2], $0x80, v4, vm0, $0xb8;
	[tilespmem:$0x10080] =	vst v63  }
0x26: {  	s10 =	rddreg [dreg:$0x6];
	v3 =	vadd.s32 v1, v3  }
0x27: {  	[tilespmem:s10], [sflag:$0x1] =	stream.indirect_vreg.gather [hbm4b:s5+s2], $0x80, v4, vm0, $0xb8;
	[tilespmem:$0x10080] =	vst v63  }
0x28: {  	s0 =	rddreg [dreg:$0x7]  }
0x29: {  	[tilespmem:s0], [sflag:$0x1] =	stream.indirect_vreg.gather [hbm4b:s6+s2], $0x80, v4, vm0, $0xb8;
	[tilespmem:$0x10080] =	vst v63  }
0x2a: {  	s10 =	rddreg [dreg:$0x8]  }
0x2b: {  	[tilespmem:s10], [sflag:$0x1] =	stream.indirect_vreg.gather [hbm4b:s3+s2], $0x80, v3, vm0, $0xb8;
	[tilespmem:$0x10080] =	vst v63  }
0x2c: {  	s0 =	rddreg [dreg:$0x9]  }
0x2d: {  	[tilespmem:s0], [sflag:$0x1] =	stream.indirect_vreg.gather [hbm4b:s4+s2], $0x80, v3, vm0, $0xb8;
	[tilespmem:$0x10080] =	vst v63  }
0x2e: {  	s10 =	rddreg [dreg:$0xa]  }
0x2f: {  	[tilespmem:s10], [sflag:$0x1] =	stream.indirect_vreg.gather [hbm4b:s5+s2], $0x80, v3, vm0, $0xb8;
	[tilespmem:$0x10080] =	vst v63  }
0x30: {  	s0 =	rddreg [dreg:$0xb]  }
0x31: {  	[tilespmem:s0], [sflag:$0x1] =	stream.indirect_vreg.gather [hbm4b:s6+s2], $0x80, v3, vm0, $0xb8;
	[tilespmem:$0x10080] =	vst v63  }
0x32: {  	v3 =	vld [tilespmem:$0x10];
	_ =	sdelay $0x4  }
0x33: {  	v61 =	vshll.u32 v3, $0x3  }
0x34: {  	v3 =	vand.u32 $0x7, v3;
	v4 =	vand.u32 $0xFFFFFFC0, v61  }
0x35: {  	v3 =	vor.u32 v3, v4  }
0x36: {  	v4 =	vperm.xlane v3, v0;
	_ =	sdelay $0x1  }
0x37: {  	v4 =	vadd.s32 v1, v4;
	_ =	sdelay $0x3  }
0x38: {  	s0 =	rddreg [dreg:$0xc]  }
0x39: {  	[tilespmem:s0], [sflag:$0x1] =	stream.indirect_vreg.gather [hbm4b:s3+s2], $0x80, v4, vm0, $0xb8;
	[tilespmem:$0x10080] =	vst v63  }
0x3a: {  	s10 =	rddreg [dreg:$0xd];
	v3 =	vperm.xlane v3, v2  }
0x3b: {  	[tilespmem:s10], [sflag:$0x1] =	stream.indirect_vreg.gather [hbm4b:s4+s2], $0x80, v4, vm0, $0xb8;
	[tilespmem:$0x10080] =	vst v63  }
0x3c: {  	v3 =	vadd.s32 v1, v3;
	s0 =	rddreg [dreg:$0xe]  }
0x3d: {  	[tilespmem:s0], [sflag:$0x1] =	stream.indirect_vreg.gather [hbm4b:s5+s2], $0x80, v4, vm0, $0xb8;
	[tilespmem:$0x10080] =	vst v63  }
0x3e: {  	s10 =	simm.s32 $0x5880  }
0x3f: {  	[tilespmem:s10], [sflag:$0x1] =	stream.indirect_vreg.gather [hbm4b:s6+s2], $0x80, v4, vm0, $0xb8;
	[tilespmem:$0x10080] =	vst v63  }
0x40: {  	_ = 	snop  }
0x41: {  	[tilespmem:s11], [sflag:$0x1] =	stream.indirect_vreg.gather [hbm4b:s3+s2], $0x80, v3, vm0, $0xb8;
	[tilespmem:$0x10080] =	vst v63  }
0x42: {  	_ = 	snop  }
0x43: {  	[tilespmem:s12], [sflag:$0x1] =	stream.indirect_vreg.gather [hbm4b:s4+s2], $0x80, v3, vm0, $0xb8;
	[tilespmem:$0x10080] =	vst v63  }
0x44: {  	_ = 	snop  }
0x45: {  	[tilespmem:s13], [sflag:$0x1] =	stream.indirect_vreg.gather [hbm4b:s5+s2], $0x80, v3, vm0, $0xb8;
	[tilespmem:$0x10080] =	vst v63  }
0x46: {  	_ = 	snop  }
0x47: {  	[tilespmem:s14], [sflag:$0x1] =	stream.indirect_vreg.gather [hbm4b:s6+s2], $0x80, v3, vm0, $0xb8;
	[tilespmem:$0x10080] =	vst v63  }
0x48: {  	v3 =	vld [tilespmem:$0x20];
	_ =	sdelay $0x4  }
0x49: {  	v62 =	vshll.u32 v3, $0x3  }
0x4a: {  	v3 =	vand.u32 $0x7, v3;
	v4 =	vand.u32 $0xFFFFFFC0, v62  }
0x4b: {  	v3 =	vor.u32 v3, v4  }
0x4c: {  	v4 =	vperm.xlane v3, v0;
	_ =	sdelay $0x1  }
0x4d: {  	v4 =	vadd.s32 v1, v4;
	_ =	sdelay $0x4  }
0x4e: {  	[tilespmem:s15], [sflag:$0x1] =	stream.indirect_vreg.gather [hbm4b:s3+s2], $0x80, v4, vm0, $0xb8;
	[tilespmem:$0x10080] =	vst v63  }
0x4f: {  	v3 =	vperm.xlane v3, v2  }
0x50: {  	[tilespmem:s16], [sflag:$0x1] =	stream.indirect_vreg.gather [hbm4b:s4+s2], $0x80, v4, vm0, $0xb8;
	[tilespmem:$0x10080] =	vst v63  }
0x51: {  	v3 =	vadd.s32 v1, v3  }
0x52: {  	[tilespmem:s17], [sflag:$0x1] =	stream.indirect_vreg.gather [hbm4b:s5+s2], $0x80, v4, vm0, $0xb8;
	[tilespmem:$0x10080] =	vst v63  }
0x53: {  	_ = 	snop  }
0x54: {  	[tilespmem:s18], [sflag:$0x1] =	stream.indirect_vreg.gather [hbm4b:s6+s2], $0x80, v4, vm0, $0xb8;
	[tilespmem:$0x10080] =	vst v63  }
0x55: {  	_ = 	snop  }
0x56: {  	[tilespmem:s19], [sflag:$0x1] =	stream.indirect_vreg.gather [hbm4b:s3+s2], $0x80, v3, vm0, $0xb8;
	[tilespmem:$0x10080] =	vst v63  }
0x57: {  	_ = 	snop  }
0x58: {  	[tilespmem:s20], [sflag:$0x1] =	stream.indirect_vreg.gather [hbm4b:s4+s2], $0x80, v3, vm0, $0xb8;
	[tilespmem:$0x10080] =	vst v63  }
0x59: {  	_ = 	snop  }
0x5a: {  	[tilespmem:s21], [sflag:$0x1] =	stream.indirect_vreg.gather [hbm4b:s5+s2], $0x80, v3, vm0, $0xb8;
	[tilespmem:$0x10080] =	vst v63  }
0x5b: {  	_ = 	snop  }
0x5c: {  	[tilespmem:s22], [sflag:$0x1] =	stream.indirect_vreg.gather [hbm4b:s6+s2], $0x80, v3, vm0, $0xb8;
	[tilespmem:$0x10080] =	vst v63  }
0x5d: {  	v3 =	vld [tilespmem:$0x30];
	_ =	sdelay $0x4  }
0x5e: {  	v63 =	vshll.u32 v3, $0x3  }
0x5f: {  	v3 =	vand.u32 $0x7, v3;
	v4 =	vand.u32 $0xFFFFFFC0, v63  }
0x60: {  	v3 =	vor.u32 v3, v4  }
0x61: {  	v4 =	vperm.xlane v3, v0;
	_ =	sdelay $0x1  }
0x62: {  	v4 =	vadd.s32 v1, v4;
	_ =	sdelay $0x4  }
0x63: {  	[tilespmem:s23], [sflag:$0x1] =	stream.indirect_vreg.gather [hbm4b:s3+s2], $0x80, v4, vm0, $0xb8;
	[tilespmem:$0x10080] =	vst v63  }
0x64: {  	v3 =	vperm.xlane v3, v2  }
0x65: {  	[tilespmem:s24], [sflag:$0x1] =	stream.indirect_vreg.gather [hbm4b:s4+s2], $0x80, v4, vm0, $0xb8;
	[tilespmem:$0x10080] =	vst v63  }
0x66: {  	v3 =	vadd.s32 v1, v3  }
0x67: {  	[tilespmem:s25], [sflag:$0x1] =	stream.indirect_vreg.gather [hbm4b:s5+s2], $0x80, v4, vm0, $0xb8;
	[tilespmem:$0x10080] =	vst v63  }
0x68: {  	_ = 	snop  }
0x69: {  	[tilespmem:s26], [sflag:$0x1] =	stream.indirect_vreg.gather [hbm4b:s6+s2], $0x80, v4, vm0, $0xb8;
	[tilespmem:$0x10080] =	vst v63  }
0x6a: {  	_ = 	snop  }
0x6b: {  	[tilespmem:s28], [sflag:$0x1] =	stream.indirect_vreg.gather [hbm4b:s3+s2], $0x80, v3, vm0, $0xb8;
	[tilespmem:$0x10080] =	vst v63  }
0x6c: {  	_ = 	snop  }
0x6d: {  	[tilespmem:s29], [sflag:$0x1] =	stream.indirect_vreg.gather [hbm4b:s4+s2], $0x80, v3, vm0, $0xb8;
	[tilespmem:$0x10080] =	vst v63  }
0x6e: {  	_ = 	snop  }
0x6f: {  	[tilespmem:s30], [sflag:$0x1] =	stream.indirect_vreg.gather [hbm4b:s5+s2], $0x80, v3, vm0, $0xb8;
	[tilespmem:$0x10080] =	vst v63  }
0x70: {  	_ = 	snop  }
0x71: {  	[tilespmem:s31], [sflag:$0x1] =	stream.indirect_vreg.gather [hbm4b:s6+s2], $0x80, v3, vm0, $0xb8;
	[tilespmem:$0x10080] =	vst v63  }
0x72: {  	_ =	swait.ge [sflag:s1], $0x10000  }
0x73: {  	p0 =	sne.s32 s7, $0x1;
	[sflag:s1] =	ssyncset.done $0x0  }
.Ltmp0:
0x74: {  	s10 =	rddreg [dreg:$0x4];
	[sflag:s1] =	ssyncadd.s32 $0xFFFF0000;
	(pc) =	sbr.rel @p0 .LBB2_1-.Ltmp0, $4  }
0x75: {  	[hbm4b:s10+s2] =	stream.linear.scatter [tilespmem:s9], [sflag:$0x2], $0x10000, $0x38;
	[tilespmem:$0x10080] =	vst v63  }
0x76: {  	_ =	swait.ge [sflag:s8], $0x10000  }
0x77: {  	[sflag:s8] =	ssyncset.done $0x0  }
0x78: {  	s7 =	sadd.s32 $0xFFFFFFFF, s7;
	[sflag:s8] =	ssyncadd.s32 $0xFFFF0000  }
0x79: {  	_ =	sfence.sel $0x180000  }
0x7a: {  	[bflag:$0x0] =	sbarrier.arrive $0xFFFF  }
0x7b: {  	_ =	strace $0x9000004A  }
0x7c: {  	s0 =	stileid.u32;
	[bflag:$0x2] =	sbarrier.arrive $0xFFFF  }
0x7d: {  	p0 =	sne.s32 s0, $0x0;
	s0 =	rddreg [dreg:$0x2]  }
0x7e: {  	s0 =	sadd.s32 @!p0 $0x100000, s0  }
0x7f: {  	[sflag:s0] =	ssyncadd.tile.s32 @!p0 $0x1;
	_ =	shalt  }
.Lfunc_end2:
_tile_overlayer_lowered:
.L_overlay_start_2:
0x80: {  	(tag) =	ssettag $0x2  }
0x81: {  	s0 =	rddreg [dreg:$0x0];
	s2 =	stileid.u32  }
0x82: {  	s1 =	rddreg [dreg:$0x1];
	p0 =	sne.s32 s2, $0x0  }
0x83: {  	s3 =	rddreg [dreg:$0x2];
	[bflag:$0x3] =	sbarrier.arrive $0xFFFF;
	s2 =	simm.s32 @!p0 $0x1C02  }
0x84: {  	[timem:s3], [sflag:s2] =	dma.local @!p0 [hbm:s0], s1  }
0x85: {  	s0 =	simm.s32 @!p0 $0x2  }
0x86: {  	_ =	swait.ge @!p0 [sflag:s0], s1  }
0x87: {  	s1 =	ssub.s32 @!p0 $0x0, s1;
	[sflag:s0] =	ssyncset.done @!p0 $0x0  }
0x88: {  	[sflag:s0] =	ssyncadd.s32 @!p0 s1  }
0x89: {  	[bflag:$0x3] =	sbarrier.arrive $0xFFFF  }
0x8a: {  	_ =	shalt  }

</sc_bundles>
